<compile_context>
chip_gen: v7x
topology: tpu7x:2x2x1
jax: 0.10.2.dev20260603
libtpu: 0.0.44.dev20260713+nightly
codegen_flags: <defaults>
</compile_context>

<pallas_src>
import functools

import jax
import jax.numpy as jnp
from jax import lax
from jax.experimental import pallas as pl
from jax.experimental.pallas import tpu as pltpu
from jax.experimental.pallas import tpu_sc as plsc

N = 10000
E = 160000
D = 256
DH = 128

NC = 2
NS = 16
CH = 64
RING = 4
EPT = 10240
E_PAD = EPT * NS
NCHUNK = EPT // CH
NT = NCHUNK // RING
DCH = 64
EPW = E_PAD // (NC * NS)
DNCHUNK = EPW // DCH
GROWS = 10240
ZR = GROWS // NS
ZB = 80


def _sc_scatter(x_lo, x_hi, rowp2, colp, zrows):
    mesh = plsc.VectorSubcoreMesh(core_axis_name="c", subcore_axis_name="s")

    @functools.partial(
        pl.kernel,
        out_type=(
            jax.ShapeDtypeStruct((GROWS, DH), jnp.float32),
            jax.ShapeDtypeStruct((GROWS, DH), jnp.float32),
        ),
        mesh=mesh,
        scratch_types=(
            [pltpu.VMEM((NCHUNK // 2, CH), jnp.int32)]
            + [pltpu.VMEM((CH,), jnp.int32)] * RING
            + [pltpu.VMEM((CH, DH), jnp.float32)] * RING
            + [pltpu.SemaphoreType.DMA] * (3 * RING)
            + [pltpu.VMEM_SHARED((GROWS, DH), jnp.float32)]
        ),
    )
    def k(xlo_hbm, xhi_hbm, row2_hbm, col_hbm, z_hbm, g0_hbm, g1_hbm, row2,
          *rest):
        colv = rest[0:RING]
        buf = rest[RING:2 * RING]
        si = rest[2 * RING:3 * RING]
        sg = rest[3 * RING:4 * RING]
        ss = rest[4 * RING:5 * RING]
        g_sh = rest[5 * RING]
        c = lax.axis_index("c")
        s = lax.axis_index("s")

        pltpu.sync_copy(z_hbm, g_sh.at[pl.ds(s * ZR, ZR)])
        pltpu.sync_copy(row2_hbm.at[pl.ds(s * NCHUNK, NCHUNK // 2)], row2)

        plsc.subcore_barrier()

        base = s * EPT

        def run(x_ref):
            def idx_start(chunk, j):
                pltpu.async_copy(col_hbm.at[pl.ds(base + chunk * CH, CH)],
                                 colv[j], si[j])

            def idx_wait(j):
                pltpu.make_async_copy(col_hbm.at[pl.ds(base, CH)], colv[j],
                                      si[j]).wait()

            def gather_start(j):
                pltpu.async_copy(x_ref.at[colv[j]], buf[j], sg[j])

            def gather_wait(j):
                pltpu.make_async_copy(x_ref.at[colv[j]], buf[j], sg[j]).wait()

            def scat_start(chunk, j):
                lc = lax.rem(chunk, NCHUNK // 2)
                pltpu.async_copy(buf[j], g_sh.at[row2.at[lc]], ss[j],
                                 add=True)

            def scat_wait(j):
                pltpu.make_async_copy(buf[j], g_sh.at[row2.at[0]],
                                      ss[j]).wait()

            for j in range(RING):
                idx_start(j, j)
            for j in range(RING):
                idx_wait(j)
                gather_start(j)

            @pl.loop(0, NT)
            def _(t):
                q0 = RING * t

                @pl.when(t == NT // 2)
                def _():
                    pltpu.sync_copy(
                        row2_hbm.at[pl.ds(s * NCHUNK + NCHUNK // 2,
                                          NCHUNK // 2)], row2)

                for j in range(RING):
                    gather_wait(j)
                    scat_start(q0 + j, j)

                    @pl.when(t < NT - 1)
                    def _(j=j):
                        idx_start(q0 + j + RING, j)

                @pl.when(t < NT - 1)
                def _():
                    for j in range(RING):
                        idx_wait(j)
                        scat_wait(j)
                        gather_start(j)

            for j in range(RING):
                scat_wait(j)

        @pl.when(c == 0)
        def _():
            run(xlo_hbm)

        @pl.when(c == 1)
        def _():
            run(xhi_hbm)

        plsc.subcore_barrier()

        @pl.when(c == 0)
        def _():
            pltpu.sync_copy(g_sh.at[pl.ds(s * ZR, ZR)],
                            g0_hbm.at[pl.ds(s * ZR, ZR)])

        @pl.when(c == 1)
        def _():
            pltpu.sync_copy(g_sh.at[pl.ds(s * ZR, ZR)],
                            g1_hbm.at[pl.ds(s * ZR, ZR)])

    return k(x_lo, x_hi, rowp2, colp, zrows)


def _sc_degree(rowd2, zrows, dep):
    mesh = plsc.VectorSubcoreMesh(core_axis_name="c", subcore_axis_name="s")

    @functools.partial(
        pl.kernel,
        out_type=(
            jax.ShapeDtypeStruct((GROWS, DH), jnp.float32),
            jax.ShapeDtypeStruct((GROWS, DH), jnp.float32),
        ),
        mesh=mesh,
        scratch_types=[
            pltpu.VMEM((DNCHUNK, DCH), jnp.int32),
            pltpu.VMEM((DCH, DH), jnp.float32),
            pltpu.SemaphoreType.DMA,
            pltpu.VMEM_SHARED((GROWS, DH), jnp.float32),
        ],
    )
    def k(row2_hbm, z_hbm, dep_hbm, d0_hbm, d1_hbm, row2, onesb, sem, d_sh):
        del dep_hbm
        c = lax.axis_index("c")
        s = lax.axis_index("s")

        zrow = jnp.zeros((16,), jnp.float32)
        e0row = jnp.where(lax.iota(jnp.int32, 16) == 0, 1.0, 0.0)

        @pl.loop(0, DCH)
        def _(i):
            onesb[i, pl.ds(0, 16)] = e0row

            @pl.loop(1, DH // 16)
            def _(j):
                onesb[i, pl.ds(j * 16, 16)] = zrow

        pltpu.sync_copy(z_hbm, d_sh.at[pl.ds(s * ZR, ZR)])
        w = c * NS + s
        pltpu.sync_copy(row2_hbm.at[pl.ds(w * DNCHUNK, DNCHUNK)], row2)

        plsc.subcore_barrier()

        @pl.loop(0, DNCHUNK)
        def _(kk):
            pltpu.async_copy(onesb, d_sh.at[row2.at[kk]], sem, add=True)

        @pl.loop(0, DNCHUNK)
        def _(kk):
            pltpu.make_async_copy(onesb, d_sh.at[row2.at[0]], sem).wait()

        plsc.subcore_barrier()

        @pl.when(c == 0)
        def _():
            pltpu.sync_copy(d_sh.at[pl.ds(s * ZR, ZR)],
                            d0_hbm.at[pl.ds(s * ZR, ZR)])

        @pl.when(c == 1)
        def _():
            pltpu.sync_copy(d_sh.at[pl.ds(s * ZR, ZR)],
                            d1_hbm.at[pl.ds(s * ZR, ZR)])

    return k(rowd2, zrows, dep)


def _tc_xw_body(x_ref, w1_ref, w2_ref, b1_ref, b2_ref, h1_ref, h2_ref):
    xb = x_ref[...]
    hp = jnp.float32
    h1_ref[...] = jnp.dot(xb, w1_ref[...], preferred_element_type=hp,
                          precision=lax.Precision.HIGHEST) + b1_ref[...]
    h2_ref[...] = jnp.dot(xb, w2_ref[...], preferred_element_type=hp,
                          precision=lax.Precision.HIGHEST) + b2_ref[...]


def _tc_xw(x, w1, w2, b1, b2):
    B = 1000
    return pl.pallas_call(
        _tc_xw_body,
        grid=(N // B,),
        in_specs=[
            pl.BlockSpec((B, D), lambda i: (i, 0)),
            pl.BlockSpec((D, D), lambda i: (0, 0)),
            pl.BlockSpec((D, D), lambda i: (0, 0)),
            pl.BlockSpec((1, D), lambda i: (0, 0)),
            pl.BlockSpec((1, D), lambda i: (0, 0)),
        ],
        out_specs=(pl.BlockSpec((B, D), lambda i: (i, 0)),
                   pl.BlockSpec((B, D), lambda i: (i, 0))),
        out_shape=(jax.ShapeDtypeStruct((N, D), jnp.float32),
                   jax.ShapeDtypeStruct((N, D), jnp.float32)),
    )(x, w1, w2, b1, b2)


def _tc_body(h1_ref, h2_ref, g0_ref, g1_ref, d0_ref, d1_ref,
             w3lo_ref, w3hi_ref, out_ref):
    hp = jnp.float32
    h3 = (jnp.dot(g0_ref[...], w3lo_ref[...], preferred_element_type=hp,
                  precision=lax.Precision.HIGHEST)
          + jnp.dot(g1_ref[...], w3hi_ref[...], preferred_element_type=hp,
                    precision=lax.Precision.HIGHEST))
    deg = (d0_ref[...] + d1_ref[...])[:, :1]
    out_ref[...] = h1_ref[...] + deg * h2_ref[...] - h3


def _tc_combine(h1, h2, g0, g1, d0, d1, w3lo, w3hi):
    B = 1000
    return pl.pallas_call(
        _tc_body,
        grid=(N // B,),
        in_specs=[
            pl.BlockSpec((B, D), lambda i: (i, 0)),
            pl.BlockSpec((B, D), lambda i: (i, 0)),
            pl.BlockSpec((B, DH), lambda i: (i, 0)),
            pl.BlockSpec((B, DH), lambda i: (i, 0)),
            pl.BlockSpec((B, DH), lambda i: (i, 0)),
            pl.BlockSpec((B, DH), lambda i: (i, 0)),
            pl.BlockSpec((DH, D), lambda i: (0, 0)),
            pl.BlockSpec((DH, D), lambda i: (0, 0)),
        ],
        out_specs=pl.BlockSpec((B, D), lambda i: (i, 0)),
        out_shape=jax.ShapeDtypeStruct((N, D), jnp.float32),
    )(h1, h2, g0, g1, d0, d1, w3lo, w3hi)


def kernel(x, edge_index, self_kernel, self_bias, aggr_self_kernel,
           aggr_self_bias, aggr_neighbor_kernel):
    row = edge_index[0].astype(jnp.int32)
    col = edge_index[1].astype(jnp.int32)
    pad_n = E_PAD - E
    pad_rows = N + (jnp.arange(pad_n, dtype=jnp.int32) % 16)
    rowp = jnp.concatenate([row, pad_rows])
    colp = jnp.concatenate([col, jnp.zeros((pad_n,), jnp.int32)])

    x_lo = x[:, :DH]
    x_hi = x[:, DH:]
    rowp2 = rowp.reshape(E_PAD // CH, CH)
    rowd2 = rowp.reshape(E_PAD // DCH, DCH)
    zrows = jnp.zeros((ZR, DH), jnp.float32)
    g0, g1 = _sc_scatter(x_lo, x_hi, rowp2, colp, zrows)
    d0, d1 = _sc_degree(rowd2, zrows, g0[:8])
    h1, h2 = _tc_xw(x, self_kernel, aggr_self_kernel,
                    self_bias.reshape(1, D), aggr_self_bias.reshape(1, D))

    out = _tc_combine(h1, h2, g0, g1, d0, d1,
                      aggr_neighbor_kernel[:DH], aggr_neighbor_kernel[DH:])
    return out

# --- scband reference (transcript-rebuilt; emitter-appended) ---
"""Pipeline reference for scband-leconv-75127567941707 (READ-ONLY COPY).

The authoritative reference and input builder live on the scoring server;
editing this copy changes nothing except your own understanding.
"""

import jax, jax.numpy as jnp
import numpy as np

N_NODES = 10000
N_EDGES = 160000
D_FEAT = 256
UNITS = 256


def setup_inputs(seed: int = 0) -> dict:
    key = jax.random.key(seed)
    k_x, k_ei, k_sk, k_ask, k_ank = jax.random.split(key, 5)
    x = jax.random.normal(k_x, (N_NODES, D_FEAT), dtype=jnp.float32)
    edge_index = jax.random.randint(k_ei, (2, N_EDGES), 0, N_NODES, dtype=jnp.int64)
    # glorot-uniform-like init for kernels
    limit = float(np.sqrt(6.0 / (D_FEAT + UNITS)))
    self_kernel = jax.random.uniform(k_sk, (D_FEAT, UNITS), minval=-limit, maxval=limit, dtype=jnp.float32)
    self_bias = jnp.zeros((UNITS,), dtype=jnp.float32)
    aggr_self_kernel = jax.random.uniform(k_ask, (D_FEAT, UNITS), minval=-limit, maxval=limit, dtype=jnp.float32)
    aggr_self_bias = jnp.zeros((UNITS,), dtype=jnp.float32)
    aggr_neighbor_kernel = jax.random.uniform(k_ank, (D_FEAT, UNITS), minval=-limit, maxval=limit, dtype=jnp.float32)
    return {
        "x": x,
        "edge_index": edge_index,
        "self_kernel": self_kernel,
        "self_bias": self_bias,
        "aggr_self_kernel": aggr_self_kernel,
        "aggr_self_bias": aggr_self_bias,
        "aggr_neighbor_kernel": aggr_neighbor_kernel,
    }


def reference(x, edge_index, self_kernel, self_bias, aggr_self_kernel, aggr_self_bias, aggr_neighbor_kernel):
    # LEConv: out_i = (x_i @ W_self + b_self)
    #         + sum_{(i<-j) in E} w_e * ((x_i @ W_aggr_self + b_aggr_self) - (x_j @ W_aggr_nbr))
    # edge_weight defaults to ones (inputs had length 2).
    num_nodes = x.shape[0]
    row = edge_index[0]
    col = edge_index[1]
    edge_weight = jnp.ones((edge_index.shape[1],), dtype=x.dtype)

    self_h = x @ self_kernel + self_bias
    aggr_self_h = x @ aggr_self_kernel + aggr_self_bias
    aggr_neighbor_h = x @ aggr_neighbor_kernel  # no bias (aggr_neighbor_use_bias=False)

    # per-edge message, gathered at dst (row) and src (col)
    msg = edge_weight[:, None] * (jnp.take(aggr_self_h, row, axis=0) - jnp.take(aggr_neighbor_h, col, axis=0))
    aggr_h = jax.ops.segment_sum(msg, row, num_segments=num_nodes)

    out = self_h + aggr_h
    # activation=None -> identity
    return out

if __name__ == "__main__":
    import jax
    _d = setup_inputs()
    print(jax.jit(kernel)(*tuple(_d.values())))

</pallas_src>

<mosaic_0001>
#map = affine_map<(d0, d1) -> (0, 0)>
#map1 = affine_map<(d0, d1) -> (0)>
module attributes {stable_mosaic.version = 14 : i64} {
  func.func @k(%arg0: i32, %arg1: i32, %arg2: memref<10000x128xf32, #tpu.memory_space<hbm>>, %arg3: memref<10000x128xf32, #tpu.memory_space<hbm>>, %arg4: memref<2560x64xi32, #tpu.memory_space<hbm>>, %arg5: memref<163840xi32, #tpu.memory_space<hbm>>, %arg6: memref<640x128xf32, #tpu.memory_space<hbm>>, %arg7: memref<10240x128xf32, #tpu.memory_space<hbm>>, %arg8: memref<10240x128xf32, #tpu.memory_space<hbm>>, %arg9: memref<80x64xi32, #tpu.memory_space<vmem>>, %arg10: memref<64xi32, #tpu.memory_space<vmem>>, %arg11: memref<64xi32, #tpu.memory_space<vmem>>, %arg12: memref<64xi32, #tpu.memory_space<vmem>>, %arg13: memref<64xi32, #tpu.memory_space<vmem>>, %arg14: memref<64x128xf32, #tpu.memory_space<vmem>>, %arg15: memref<64x128xf32, #tpu.memory_space<vmem>>, %arg16: memref<64x128xf32, #tpu.memory_space<vmem>>, %arg17: memref<64x128xf32, #tpu.memory_space<vmem>>, %arg18: memref<!tpu.dma_semaphore, #tpu.memory_space<semaphore_mem>>, %arg19: memref<!tpu.dma_semaphore, #tpu.memory_space<semaphore_mem>>, %arg20: memref<!tpu.dma_semaphore, #tpu.memory_space<semaphore_mem>>, %arg21: memref<!tpu.dma_semaphore, #tpu.memory_space<semaphore_mem>>, %arg22: memref<!tpu.dma_semaphore, #tpu.memory_space<semaphore_mem>>, %arg23: memref<!tpu.dma_semaphore, #tpu.memory_space<semaphore_mem>>, %arg24: memref<!tpu.dma_semaphore, #tpu.memory_space<semaphore_mem>>, %arg25: memref<!tpu.dma_semaphore, #tpu.memory_space<semaphore_mem>>, %arg26: memref<!tpu.dma_semaphore, #tpu.memory_space<semaphore_mem>>, %arg27: memref<!tpu.dma_semaphore, #tpu.memory_space<semaphore_mem>>, %arg28: memref<!tpu.dma_semaphore, #tpu.memory_space<semaphore_mem>>, %arg29: memref<!tpu.dma_semaphore, #tpu.memory_space<semaphore_mem>>, %arg30: memref<10240x128xf32, #tpu.memory_space<vmem_shared>>) attributes {dimension_semantics = [#tpu.dimension_semantics<core_parallel>, #tpu.dimension_semantics<subcore_parallel>], iteration_bounds = array<i64: 2, 16>, scalar_prefetch = 0 : i64, scratch_operands = 22 : i64, tpu.core_type = #tpu.core_type<sc_vector_subcore>, window_params = [{transform_indices = #map}, {transform_indices = #map}, {transform_indices = #map}, {transform_indices = #map1}, {transform_indices = #map}, {transform_indices = #map}, {transform_indices = #map}]} {
    %mul3A = arith.constant 640 : i32
    %mul3A_0 = arith.muli %arg1, %mul3A : i32
    "tpu.region"() ({
      %run_scoped3A = tpu.sem_alloc : memref<!tpu.dma_semaphore, #tpu.memory_space<semaphore_mem>>
      %dma_start3A = arith.constant 0 : i32
      %dma_start3A_23 = tpu.memref_slice %arg30[%mul3A_0, %dma_start3A] : memref<10240x128xf32, #tpu.memory_space<vmem_shared>> -> memref<640x128xf32, #tpu.memory_space<vmem_shared>>
      tpu.enqueue_dma source(%arg6 : memref<640x128xf32, #tpu.memory_space<hbm>>) target(%dma_start3A_23 : memref<640x128xf32, #tpu.memory_space<vmem_shared>>) target_semaphore(%run_scoped3A : memref<!tpu.dma_semaphore, #tpu.memory_space<semaphore_mem>>)
      %dma_wait3A = arith.constant 0 : i32
      %dma_wait3A_24 = tpu.memref_slice %arg30[%mul3A_0, %dma_wait3A] : memref<10240x128xf32, #tpu.memory_space<vmem_shared>> -> memref<640x128xf32, #tpu.memory_space<vmem_shared>>
      tpu.wait_dma2 semaphore(%run_scoped3A : memref<!tpu.dma_semaphore, #tpu.memory_space<semaphore_mem>>) src(%arg6 : memref<640x128xf32, #tpu.memory_space<hbm>>) dst(%dma_wait3A_24 : memref<640x128xf32, #tpu.memory_space<vmem_shared>>)
      tpu.yield
    }) : () -> ()
    %mul3A_1 = arith.constant 160 : i32
    %mul3A_2 = arith.muli %arg1, %mul3A_1 : i32
    "tpu.region"() ({
      %run_scoped3A = tpu.sem_alloc : memref<!tpu.dma_semaphore, #tpu.memory_space<semaphore_mem>>
      %dma_start3A = arith.constant 0 : i32
      %dma_start3A_23 = tpu.memref_slice %arg4[%mul3A_2, %dma_start3A] : memref<2560x64xi32, #tpu.memory_space<hbm>> -> memref<80x64xi32, #tpu.memory_space<hbm>>
      %dma_start3A_24 = arith.constant 0 : i32
      %dma_start3A_25 = tpu.memref_slice %arg4[%mul3A_2, %dma_start3A_24] : memref<2560x64xi32, #tpu.memory_space<hbm>> -> memref<80x64xi32, #tpu.memory_space<hbm>>
      tpu.enqueue_dma source(%dma_start3A_25 : memref<80x64xi32, #tpu.memory_space<hbm>>) target(%arg9 : memref<80x64xi32, #tpu.memory_space<vmem>>) target_semaphore(%run_scoped3A : memref<!tpu.dma_semaphore, #tpu.memory_space<semaphore_mem>>)
      %dma_wait3A = arith.constant 0 : i32
      %dma_wait3A_26 = tpu.memref_slice %arg4[%mul3A_2, %dma_wait3A] : memref<2560x64xi32, #tpu.memory_space<hbm>> -> memref<80x64xi32, #tpu.memory_space<hbm>>
      %dma_wait3A_27 = arith.constant 0 : i32
      %dma_wait3A_28 = tpu.memref_slice %arg4[%mul3A_2, %dma_wait3A_27] : memref<2560x64xi32, #tpu.memory_space<hbm>> -> memref<80x64xi32, #tpu.memory_space<hbm>>
      tpu.wait_dma2 semaphore(%run_scoped3A : memref<!tpu.dma_semaphore, #tpu.memory_space<semaphore_mem>>) src(%dma_wait3A_28 : memref<80x64xi32, #tpu.memory_space<hbm>>) dst(%arg9 : memref<80x64xi32, #tpu.memory_space<vmem>>)
      tpu.yield
    }) : () -> ()
    %barrier3A = arith.constant 0 : index
    tpu.barrier barrier_id(%barrier3A)
    %mul3A_3 = arith.constant 10240 : i32
    %mul3A_4 = arith.muli %arg1, %mul3A_3 : i32
    %eq3A = arith.constant 0 : i32
    %eq3A_5 = arith.cmpi eq, %arg0, %eq3A : i32
    %convert_element_type3A = arith.extui %eq3A_5 : i1 to i32
    %cond3A = arith.constant 0 : i32
    %cond3A_6 = arith.cmpi ne, %convert_element_type3A, %cond3A : i32
    scf.if %cond3A_6 {
      %add3A = arith.constant 0 : i32
      %add3A_23 = arith.addi %mul3A_4, %add3A : i32
      %dma_start3A = tpu.memref_slice %arg5[%add3A_23] : memref<163840xi32, #tpu.memory_space<hbm>> -> memref<64xi32, #tpu.memory_space<hbm>>
      %dma_start3A_24 = tpu.memref_slice %arg5[%add3A_23] : memref<163840xi32, #tpu.memory_space<hbm>> -> memref<64xi32, #tpu.memory_space<hbm>>
      tpu.enqueue_dma source(%dma_start3A_24 : memref<64xi32, #tpu.memory_space<hbm>>) target(%arg10 : memref<64xi32, #tpu.memory_space<vmem>>) target_semaphore(%arg18 : memref<!tpu.dma_semaphore, #tpu.memory_space<semaphore_mem>>)
      %add3A_25 = arith.constant 64 : i32
      %add3A_26 = arith.addi %mul3A_4, %add3A_25 : i32
      %dma_start3A_27 = tpu.memref_slice %arg5[%add3A_26] : memref<163840xi32, #tpu.memory_space<hbm>> -> memref<64xi32, #tpu.memory_space<hbm>>
      %dma_start3A_28 = tpu.memref_slice %arg5[%add3A_26] : memref<163840xi32, #tpu.memory_space<hbm>> -> memref<64xi32, #tpu.memory_space<hbm>>
      tpu.enqueue_dma source(%dma_start3A_28 : memref<64xi32, #tpu.memory_space<hbm>>) target(%arg11 : memref<64xi32, #tpu.memory_space<vmem>>) target_semaphore(%arg19 : memref<!tpu.dma_semaphore, #tpu.memory_space<semaphore_mem>>)
      %add3A_29 = arith.constant 128 : i32
      %add3A_30 = arith.addi %mul3A_4, %add3A_29 : i32
      %dma_start3A_31 = tpu.memref_slice %arg5[%add3A_30] : memref<163840xi32, #tpu.memory_space<hbm>> -> memref<64xi32, #tpu.memory_space<hbm>>
      %dma_start3A_32 = tpu.memref_slice %arg5[%add3A_30] : memref<163840xi32, #tpu.memory_space<hbm>> -> memref<64xi32, #tpu.memory_space<hbm>>
      tpu.enqueue_dma source(%dma_start3A_32 : memref<64xi32, #tpu.memory_space<hbm>>) target(%arg12 : memref<64xi32, #tpu.memory_space<vmem>>) target_semaphore(%arg20 : memref<!tpu.dma_semaphore, #tpu.memory_space<semaphore_mem>>)
      %add3A_33 = arith.constant 192 : i32
      %add3A_34 = arith.addi %mul3A_4, %add3A_33 : i32
      %dma_start3A_35 = tpu.memref_slice %arg5[%add3A_34] : memref<163840xi32, #tpu.memory_space<hbm>> -> memref<64xi32, #tpu.memory_space<hbm>>
      %dma_start3A_36 = tpu.memref_slice %arg5[%add3A_34] : memref<163840xi32, #tpu.memory_space<hbm>> -> memref<64xi32, #tpu.memory_space<hbm>>
      tpu.enqueue_dma source(%dma_start3A_36 : memref<64xi32, #tpu.memory_space<hbm>>) target(%arg13 : memref<64xi32, #tpu.memory_space<vmem>>) target_semaphore(%arg21 : memref<!tpu.dma_semaphore, #tpu.memory_space<semaphore_mem>>)
      %dma_wait3A = tpu.memref_slice %arg5[%mul3A_4] : memref<163840xi32, #tpu.memory_space<hbm>> -> memref<64xi32, #tpu.memory_space<hbm>>
      %dma_wait3A_37 = tpu.memref_slice %arg5[%mul3A_4] : memref<163840xi32, #tpu.memory_space<hbm>> -> memref<64xi32, #tpu.memory_space<hbm>>
      tpu.wait_dma2 semaphore(%arg18 : memref<!tpu.dma_semaphore, #tpu.memory_space<semaphore_mem>>) src(%dma_wait3A_37 : memref<64xi32, #tpu.memory_space<hbm>>) dst(%arg10 : memref<64xi32, #tpu.memory_space<vmem>>)
      %dma_start3A_38 = arith.constant 0 : i32
      %dma_start3A_39 = arith.constant 0 : i32
      %dma_start3A_40 = tpu.memref_slice %arg2[%dma_start3A_38, %dma_start3A_39] : memref<10000x128xf32, #tpu.memory_space<hbm>> -> memref<10000x128xf32, #tpu.memory_space<hbm>>
      tpu.enqueue_indirect_dma source(%dma_start3A_40 : memref<10000x128xf32, #tpu.memory_space<hbm>>) target(%arg14 : memref<64x128xf32, #tpu.memory_space<vmem>>) offsets(%arg10 : memref<64xi32, #tpu.memory_space<vmem>>) semaphore(%arg22 : memref<!tpu.dma_semaphore, #tpu.memory_space<semaphore_mem>>)
      %dma_wait3A_41 = tpu.memref_slice %arg5[%mul3A_4] : memref<163840xi32, #tpu.memory_space<hbm>> -> memref<64xi32, #tpu.memory_space<hbm>>
      %dma_wait3A_42 = tpu.memref_slice %arg5[%mul3A_4] : memref<163840xi32, #tpu.memory_space<hbm>> -> memref<64xi32, #tpu.memory_space<hbm>>
      tpu.wait_dma2 semaphore(%arg19 : memref<!tpu.dma_semaphore, #tpu.memory_space<semaphore_mem>>) src(%dma_wait3A_42 : memref<64xi32, #tpu.memory_space<hbm>>) dst(%arg11 : memref<64xi32, #tpu.memory_space<vmem>>)
      %dma_start3A_43 = arith.constant 0 : i32
      %dma_start3A_44 = arith.constant 0 : i32
      %dma_start3A_45 = tpu.memref_slice %arg2[%dma_start3A_43, %dma_start3A_44] : memref<10000x128xf32, #tpu.memory_space<hbm>> -> memref<10000x128xf32, #tpu.memory_space<hbm>>
      tpu.enqueue_indirect_dma source(%dma_start3A_45 : memref<10000x128xf32, #tpu.memory_space<hbm>>) target(%arg15 : memref<64x128xf32, #tpu.memory_space<vmem>>) offsets(%arg11 : memref<64xi32, #tpu.memory_space<vmem>>) semaphore(%arg23 : memref<!tpu.dma_semaphore, #tpu.memory_space<semaphore_mem>>)
      %dma_wait3A_46 = tpu.memref_slice %arg5[%mul3A_4] : memref<163840xi32, #tpu.memory_space<hbm>> -> memref<64xi32, #tpu.memory_space<hbm>>
      %dma_wait3A_47 = tpu.memref_slice %arg5[%mul3A_4] : memref<163840xi32, #tpu.memory_space<hbm>> -> memref<64xi32, #tpu.memory_space<hbm>>
      tpu.wait_dma2 semaphore(%arg20 : memref<!tpu.dma_semaphore, #tpu.memory_space<semaphore_mem>>) src(%dma_wait3A_47 : memref<64xi32, #tpu.memory_space<hbm>>) dst(%arg12 : memref<64xi32, #tpu.memory_space<vmem>>)
      %dma_start3A_48 = arith.constant 0 : i32
      %dma_start3A_49 = arith.constant 0 : i32
      %dma_start3A_50 = tpu.memref_slice %arg2[%dma_start3A_48, %dma_start3A_49] : memref<10000x128xf32, #tpu.memory_space<hbm>> -> memref<10000x128xf32, #tpu.memory_space<hbm>>
      tpu.enqueue_indirect_dma source(%dma_start3A_50 : memref<10000x128xf32, #tpu.memory_space<hbm>>) target(%arg16 : memref<64x128xf32, #tpu.memory_space<vmem>>) offsets(%arg12 : memref<64xi32, #tpu.memory_space<vmem>>) semaphore(%arg24 : memref<!tpu.dma_semaphore, #tpu.memory_space<semaphore_mem>>)
      %dma_wait3A_51 = tpu.memref_slice %arg5[%mul3A_4] : memref<163840xi32, #tpu.memory_space<hbm>> -> memref<64xi32, #tpu.memory_space<hbm>>
      %dma_wait3A_52 = tpu.memref_slice %arg5[%mul3A_4] : memref<163840xi32, #tpu.memory_space<hbm>> -> memref<64xi32, #tpu.memory_space<hbm>>
      tpu.wait_dma2 semaphore(%arg21 : memref<!tpu.dma_semaphore, #tpu.memory_space<semaphore_mem>>) src(%dma_wait3A_52 : memref<64xi32, #tpu.memory_space<hbm>>) dst(%arg13 : memref<64xi32, #tpu.memory_space<vmem>>)
      %dma_start3A_53 = arith.constant 0 : i32
      %dma_start3A_54 = arith.constant 0 : i32
      %dma_start3A_55 = tpu.memref_slice %arg2[%dma_start3A_53, %dma_start3A_54] : memref<10000x128xf32, #tpu.memory_space<hbm>> -> memref<10000x128xf32, #tpu.memory_space<hbm>>
      tpu.enqueue_indirect_dma source(%dma_start3A_55 : memref<10000x128xf32, #tpu.memory_space<hbm>>) target(%arg17 : memref<64x128xf32, #tpu.memory_space<vmem>>) offsets(%arg13 : memref<64xi32, #tpu.memory_space<vmem>>) semaphore(%arg25 : memref<!tpu.dma_semaphore, #tpu.memory_space<semaphore_mem>>)
      %scan3A = arith.constant 0 : i32
      %scan3A_56 = arith.constant 40 : i32
      %scan3A_57 = arith.addi %scan3A, %scan3A_56 : i32
      %scan3A_58 = arith.constant 1 : i32
      scf.for %scan3A_88 = %scan3A to %scan3A_57 step %scan3A_58  : i32 {
        %mul3A_89 = arith.constant 1 : i32
        %mul3A_90 = arith.muli %scan3A_88, %mul3A_89 : i32
        %add3A_91 = arith.constant 0 : i32
        %add3A_92 = arith.addi %add3A_91, %mul3A_90 : i32
        %mul3A_93 = arith.constant 4 : i32
        %mul3A_94 = arith.muli %mul3A_93, %add3A_92 : i32
        %eq3A_95 = arith.constant 20 : i32
        %eq3A_96 = arith.cmpi eq, %add3A_92, %eq3A_95 : i32
        %convert_element_type3A_97 = arith.extui %eq3A_96 : i1 to i32
        %cond3A_98 = arith.constant 0 : i32
        %cond3A_99 = arith.cmpi ne, %convert_element_type3A_97, %cond3A_98 : i32
        scf.if %cond3A_99 {
          %mul3A_175 = arith.constant 160 : i32
          %mul3A_176 = arith.muli %arg1, %mul3A_175 : i32
          %add3A_177 = arith.constant 80 : i32
          %add3A_178 = arith.addi %mul3A_176, %add3A_177 : i32
          "tpu.region"() ({
            %run_scoped3A = tpu.sem_alloc : memref<!tpu.dma_semaphore, #tpu.memory_space<semaphore_mem>>
            %dma_start3A_179 = arith.constant 0 : i32
            %dma_start3A_180 = tpu.memref_slice %arg4[%add3A_178, %dma_start3A_179] : memref<2560x64xi32, #tpu.memory_space<hbm>> -> memref<80x64xi32, #tpu.memory_space<hbm>>
            %dma_start3A_181 = arith.constant 0 : i32
            %dma_start3A_182 = tpu.memref_slice %arg4[%add3A_178, %dma_start3A_181] : memref<2560x64xi32, #tpu.memory_space<hbm>> -> memref<80x64xi32, #tpu.memory_space<hbm>>
            tpu.enqueue_dma source(%dma_start3A_182 : memref<80x64xi32, #tpu.memory_space<hbm>>) target(%arg9 : memref<80x64xi32, #tpu.memory_space<vmem>>) target_semaphore(%run_scoped3A : memref<!tpu.dma_semaphore, #tpu.memory_space<semaphore_mem>>)
            %dma_wait3A_183 = arith.constant 0 : i32
            %dma_wait3A_184 = tpu.memref_slice %arg4[%add3A_178, %dma_wait3A_183] : memref<2560x64xi32, #tpu.memory_space<hbm>> -> memref<80x64xi32, #tpu.memory_space<hbm>>
            %dma_wait3A_185 = arith.constant 0 : i32
            %dma_wait3A_186 = tpu.memref_slice %arg4[%add3A_178, %dma_wait3A_185] : memref<2560x64xi32, #tpu.memory_space<hbm>> -> memref<80x64xi32, #tpu.memory_space<hbm>>
            tpu.wait_dma2 semaphore(%run_scoped3A : memref<!tpu.dma_semaphore, #tpu.memory_space<semaphore_mem>>) src(%dma_wait3A_186 : memref<80x64xi32, #tpu.memory_space<hbm>>) dst(%arg9 : memref<80x64xi32, #tpu.memory_space<vmem>>)
            tpu.yield
          }) : () -> ()
        } else {
        }
        %dma_wait3A_100 = arith.constant 0 : i32
        %dma_wait3A_101 = arith.constant 0 : i32
        %dma_wait3A_102 = tpu.memref_slice %arg2[%dma_wait3A_100, %dma_wait3A_101] : memref<10000x128xf32, #tpu.memory_space<hbm>> -> memref<10000x128xf32, #tpu.memory_space<hbm>>
        tpu.wait_indirect_dma semaphore(%arg22 : memref<!tpu.dma_semaphore, #tpu.memory_space<semaphore_mem>>) src(%dma_wait3A_102 : memref<10000x128xf32, #tpu.memory_space<hbm>>) dst(%arg14 : memref<64x128xf32, #tpu.memory_space<vmem>>)
        %add3A_103 = arith.constant 0 : i32
        %add3A_104 = arith.addi %mul3A_94, %add3A_103 : i32
        %rem3A = arith.constant 80 : i32
        %rem3A_105 = arith.remsi %add3A_104, %rem3A : i32
        %dma_start3A_106 = arith.constant 0 : i32
        %dma_start3A_107 = tpu.memref_slice %arg9[%rem3A_105, %dma_start3A_106] : memref<80x64xi32, #tpu.memory_space<vmem>> -> memref<1x64xi32, #tpu.memory_space<vmem>>
        %dma_start3A_108 = tpu.memref_squeeze %dma_start3A_107 : memref<1x64xi32, #tpu.memory_space<vmem>> -> memref<64xi32, #tpu.memory_space<vmem>>
        %dma_start3A_109 = arith.constant 0 : i32
        %dma_start3A_110 = arith.constant 0 : i32
        %dma_start3A_111 = tpu.memref_slice %arg30[%dma_start3A_109, %dma_start3A_110] : memref<10240x128xf32, #tpu.memory_space<vmem_shared>> -> memref<10240x128xf32, #tpu.memory_space<vmem_shared>>
        tpu.enqueue_indirect_dma source(%arg14 : memref<64x128xf32, #tpu.memory_space<vmem>>) target(%dma_start3A_111 : memref<10240x128xf32, #tpu.memory_space<vmem_shared>>) offsets(%dma_start3A_108 : memref<64xi32, #tpu.memory_space<vmem>>) semaphore(%arg26 : memref<!tpu.dma_semaphore, #tpu.memory_space<semaphore_mem>>) {add = true}
        %lt3A = arith.constant 39 : i32
        %lt3A_112 = arith.cmpi slt, %add3A_92, %lt3A : i32
        %convert_element_type3A_113 = arith.extui %lt3A_112 : i1 to i32
        %cond3A_114 = arith.constant 0 : i32
        %cond3A_115 = arith.cmpi ne, %convert_element_type3A_113, %cond3A_114 : i32
        scf.if %cond3A_115 {
          %add3A_175 = arith.constant 0 : i32
          %add3A_176 = arith.addi %mul3A_94, %add3A_175 : i32
          %add3A_177 = arith.constant 4 : i32
          %add3A_178 = arith.addi %add3A_176, %add3A_177 : i32
          %mul3A_179 = arith.constant 64 : i32
          %mul3A_180 = arith.muli %add3A_178, %mul3A_179 : i32
          %add3A_181 = arith.addi %mul3A_4, %mul3A_180 : i32
          %dma_start3A_182 = tpu.memref_slice %arg5[%add3A_181] : memref<163840xi32, #tpu.memory_space<hbm>> -> memref<64xi32, #tpu.memory_space<hbm>>
          %dma_start3A_183 = tpu.memref_slice %arg5[%add3A_181] : memref<163840xi32, #tpu.memory_space<hbm>> -> memref<64xi32, #tpu.memory_space<hbm>>
          tpu.enqueue_dma source(%dma_start3A_183 : memref<64xi32, #tpu.memory_space<hbm>>) target(%arg10 : memref<64xi32, #tpu.memory_space<vmem>>) target_semaphore(%arg18 : memref<!tpu.dma_semaphore, #tpu.memory_space<semaphore_mem>>)
        } else {
        }
        %dma_wait3A_116 = arith.constant 0 : i32
        %dma_wait3A_117 = arith.constant 0 : i32
        %dma_wait3A_118 = tpu.memref_slice %arg2[%dma_wait3A_116, %dma_wait3A_117] : memref<10000x128xf32, #tpu.memory_space<hbm>> -> memref<10000x128xf32, #tpu.memory_space<hbm>>
        tpu.wait_indirect_dma semaphore(%arg23 : memref<!tpu.dma_semaphore, #tpu.memory_space<semaphore_mem>>) src(%dma_wait3A_118 : memref<10000x128xf32, #tpu.memory_space<hbm>>) dst(%arg15 : memref<64x128xf32, #tpu.memory_space<vmem>>)
        %add3A_119 = arith.constant 1 : i32
        %add3A_120 = arith.addi %mul3A_94, %add3A_119 : i32
        %rem3A_121 = arith.constant 80 : i32
        %rem3A_122 = arith.remsi %add3A_120, %rem3A_121 : i32
        %dma_start3A_123 = arith.constant 0 : i32
        %dma_start3A_124 = tpu.memref_slice %arg9[%rem3A_122, %dma_start3A_123] : memref<80x64xi32, #tpu.memory_space<vmem>> -> memref<1x64xi32, #tpu.memory_space<vmem>>
        %dma_start3A_125 = tpu.memref_squeeze %dma_start3A_124 : memref<1x64xi32, #tpu.memory_space<vmem>> -> memref<64xi32, #tpu.memory_space<vmem>>
        %dma_start3A_126 = arith.constant 0 : i32
        %dma_start3A_127 = arith.constant 0 : i32
        %dma_start3A_128 = tpu.memref_slice %arg30[%dma_start3A_126, %dma_start3A_127] : memref<10240x128xf32, #tpu.memory_space<vmem_shared>> -> memref<10240x128xf32, #tpu.memory_space<vmem_shared>>
        tpu.enqueue_indirect_dma source(%arg15 : memref<64x128xf32, #tpu.memory_space<vmem>>) target(%dma_start3A_128 : memref<10240x128xf32, #tpu.memory_space<vmem_shared>>) offsets(%dma_start3A_125 : memref<64xi32, #tpu.memory_space<vmem>>) semaphore(%arg27 : memref<!tpu.dma_semaphore, #tpu.memory_space<semaphore_mem>>) {add = true}
        %lt3A_129 = arith.constant 39 : i32
        %lt3A_130 = arith.cmpi slt, %add3A_92, %lt3A_129 : i32
        %convert_element_type3A_131 = arith.extui %lt3A_130 : i1 to i32
        %cond3A_132 = arith.constant 0 : i32
        %cond3A_133 = arith.cmpi ne, %convert_element_type3A_131, %cond3A_132 : i32
        scf.if %cond3A_133 {
          %add3A_175 = arith.constant 1 : i32
          %add3A_176 = arith.addi %mul3A_94, %add3A_175 : i32
          %add3A_177 = arith.constant 4 : i32
          %add3A_178 = arith.addi %add3A_176, %add3A_177 : i32
          %mul3A_179 = arith.constant 64 : i32
          %mul3A_180 = arith.muli %add3A_178, %mul3A_179 : i32
          %add3A_181 = arith.addi %mul3A_4, %mul3A_180 : i32
          %dma_start3A_182 = tpu.memref_slice %arg5[%add3A_181] : memref<163840xi32, #tpu.memory_space<hbm>> -> memref<64xi32, #tpu.memory_space<hbm>>
          %dma_start3A_183 = tpu.memref_slice %arg5[%add3A_181] : memref<163840xi32, #tpu.memory_space<hbm>> -> memref<64xi32, #tpu.memory_space<hbm>>
          tpu.enqueue_dma source(%dma_start3A_183 : memref<64xi32, #tpu.memory_space<hbm>>) target(%arg11 : memref<64xi32, #tpu.memory_space<vmem>>) target_semaphore(%arg19 : memref<!tpu.dma_semaphore, #tpu.memory_space<semaphore_mem>>)
        } else {
        }
        %dma_wait3A_134 = arith.constant 0 : i32
        %dma_wait3A_135 = arith.constant 0 : i32
        %dma_wait3A_136 = tpu.memref_slice %arg2[%dma_wait3A_134, %dma_wait3A_135] : memref<10000x128xf32, #tpu.memory_space<hbm>> -> memref<10000x128xf32, #tpu.memory_space<hbm>>
        tpu.wait_indirect_dma semaphore(%arg24 : memref<!tpu.dma_semaphore, #tpu.memory_space<semaphore_mem>>) src(%dma_wait3A_136 : memref<10000x128xf32, #tpu.memory_space<hbm>>) dst(%arg16 : memref<64x128xf32, #tpu.memory_space<vmem>>)
        %add3A_137 = arith.constant 2 : i32
        %add3A_138 = arith.addi %mul3A_94, %add3A_137 : i32
        %rem3A_139 = arith.constant 80 : i32
        %rem3A_140 = arith.remsi %add3A_138, %rem3A_139 : i32
        %dma_start3A_141 = arith.constant 0 : i32
        %dma_start3A_142 = tpu.memref_slice %arg9[%rem3A_140, %dma_start3A_141] : memref<80x64xi32, #tpu.memory_space<vmem>> -> memref<1x64xi32, #tpu.memory_space<vmem>>
        %dma_start3A_143 = tpu.memref_squeeze %dma_start3A_142 : memref<1x64xi32, #tpu.memory_space<vmem>> -> memref<64xi32, #tpu.memory_space<vmem>>
        %dma_start3A_144 = arith.constant 0 : i32
        %dma_start3A_145 = arith.constant 0 : i32
        %dma_start3A_146 = tpu.memref_slice %arg30[%dma_start3A_144, %dma_start3A_145] : memref<10240x128xf32, #tpu.memory_space<vmem_shared>> -> memref<10240x128xf32, #tpu.memory_space<vmem_shared>>
        tpu.enqueue_indirect_dma source(%arg16 : memref<64x128xf32, #tpu.memory_space<vmem>>) target(%dma_start3A_146 : memref<10240x128xf32, #tpu.memory_space<vmem_shared>>) offsets(%dma_start3A_143 : memref<64xi32, #tpu.memory_space<vmem>>) semaphore(%arg28 : memref<!tpu.dma_semaphore, #tpu.memory_space<semaphore_mem>>) {add = true}
        %lt3A_147 = arith.constant 39 : i32
        %lt3A_148 = arith.cmpi slt, %add3A_92, %lt3A_147 : i32
        %convert_element_type3A_149 = arith.extui %lt3A_148 : i1 to i32
        %cond3A_150 = arith.constant 0 : i32
        %cond3A_151 = arith.cmpi ne, %convert_element_type3A_149, %cond3A_150 : i32
        scf.if %cond3A_151 {
          %add3A_175 = arith.constant 2 : i32
          %add3A_176 = arith.addi %mul3A_94, %add3A_175 : i32
          %add3A_177 = arith.constant 4 : i32
          %add3A_178 = arith.addi %add3A_176, %add3A_177 : i32
          %mul3A_179 = arith.constant 64 : i32
          %mul3A_180 = arith.muli %add3A_178, %mul3A_179 : i32
          %add3A_181 = arith.addi %mul3A_4, %mul3A_180 : i32
          %dma_start3A_182 = tpu.memref_slice %arg5[%add3A_181] : memref<163840xi32, #tpu.memory_space<hbm>> -> memref<64xi32, #tpu.memory_space<hbm>>
          %dma_start3A_183 = tpu.memref_slice %arg5[%add3A_181] : memref<163840xi32, #tpu.memory_space<hbm>> -> memref<64xi32, #tpu.memory_space<hbm>>
          tpu.enqueue_dma source(%dma_start3A_183 : memref<64xi32, #tpu.memory_space<hbm>>) target(%arg12 : memref<64xi32, #tpu.memory_space<vmem>>) target_semaphore(%arg20 : memref<!tpu.dma_semaphore, #tpu.memory_space<semaphore_mem>>)
        } else {
        }
        %dma_wait3A_152 = arith.constant 0 : i32
        %dma_wait3A_153 = arith.constant 0 : i32
        %dma_wait3A_154 = tpu.memref_slice %arg2[%dma_wait3A_152, %dma_wait3A_153] : memref<10000x128xf32, #tpu.memory_space<hbm>> -> memref<10000x128xf32, #tpu.memory_space<hbm>>
        tpu.wait_indirect_dma semaphore(%arg25 : memref<!tpu.dma_semaphore, #tpu.memory_space<semaphore_mem>>) src(%dma_wait3A_154 : memref<10000x128xf32, #tpu.memory_space<hbm>>) dst(%arg17 : memref<64x128xf32, #tpu.memory_space<vmem>>)
        %add3A_155 = arith.constant 3 : i32
        %add3A_156 = arith.addi %mul3A_94, %add3A_155 : i32
        %rem3A_157 = arith.constant 80 : i32
        %rem3A_158 = arith.remsi %add3A_156, %rem3A_157 : i32
        %dma_start3A_159 = arith.constant 0 : i32
        %dma_start3A_160 = tpu.memref_slice %arg9[%rem3A_158, %dma_start3A_159] : memref<80x64xi32, #tpu.memory_space<vmem>> -> memref<1x64xi32, #tpu.memory_space<vmem>>
        %dma_start3A_161 = tpu.memref_squeeze %dma_start3A_160 : memref<1x64xi32, #tpu.memory_space<vmem>> -> memref<64xi32, #tpu.memory_space<vmem>>
        %dma_start3A_162 = arith.constant 0 : i32
        %dma_start3A_163 = arith.constant 0 : i32
        %dma_start3A_164 = tpu.memref_slice %arg30[%dma_start3A_162, %dma_start3A_163] : memref<10240x128xf32, #tpu.memory_space<vmem_shared>> -> memref<10240x128xf32, #tpu.memory_space<vmem_shared>>
        tpu.enqueue_indirect_dma source(%arg17 : memref<64x128xf32, #tpu.memory_space<vmem>>) target(%dma_start3A_164 : memref<10240x128xf32, #tpu.memory_space<vmem_shared>>) offsets(%dma_start3A_161 : memref<64xi32, #tpu.memory_space<vmem>>) semaphore(%arg29 : memref<!tpu.dma_semaphore, #tpu.memory_space<semaphore_mem>>) {add = true}
        %lt3A_165 = arith.constant 39 : i32
        %lt3A_166 = arith.cmpi slt, %add3A_92, %lt3A_165 : i32
        %convert_element_type3A_167 = arith.extui %lt3A_166 : i1 to i32
        %cond3A_168 = arith.constant 0 : i32
        %cond3A_169 = arith.cmpi ne, %convert_element_type3A_167, %cond3A_168 : i32
        scf.if %cond3A_169 {
          %add3A_175 = arith.constant 3 : i32
          %add3A_176 = arith.addi %mul3A_94, %add3A_175 : i32
          %add3A_177 = arith.constant 4 : i32
          %add3A_178 = arith.addi %add3A_176, %add3A_177 : i32
          %mul3A_179 = arith.constant 64 : i32
          %mul3A_180 = arith.muli %add3A_178, %mul3A_179 : i32
          %add3A_181 = arith.addi %mul3A_4, %mul3A_180 : i32
          %dma_start3A_182 = tpu.memref_slice %arg5[%add3A_181] : memref<163840xi32, #tpu.memory_space<hbm>> -> memref<64xi32, #tpu.memory_space<hbm>>
          %dma_start3A_183 = tpu.memref_slice %arg5[%add3A_181] : memref<163840xi32, #tpu.memory_space<hbm>> -> memref<64xi32, #tpu.memory_space<hbm>>
          tpu.enqueue_dma source(%dma_start3A_183 : memref<64xi32, #tpu.memory_space<hbm>>) target(%arg13 : memref<64xi32, #tpu.memory_space<vmem>>) target_semaphore(%arg21 : memref<!tpu.dma_semaphore, #tpu.memory_space<semaphore_mem>>)
        } else {
        }
        %lt3A_170 = arith.constant 39 : i32
        %lt3A_171 = arith.cmpi slt, %add3A_92, %lt3A_170 : i32
        %convert_element_type3A_172 = arith.extui %lt3A_171 : i1 to i32
        %cond3A_173 = arith.constant 0 : i32
        %cond3A_174 = arith.cmpi ne, %convert_element_type3A_172, %cond3A_173 : i32
        scf.if %cond3A_174 {
          %dma_wait3A_175 = tpu.memref_slice %arg5[%mul3A_4] : memref<163840xi32, #tpu.memory_space<hbm>> -> memref<64xi32, #tpu.memory_space<hbm>>
          %dma_wait3A_176 = tpu.memref_slice %arg5[%mul3A_4] : memref<163840xi32, #tpu.memory_space<hbm>> -> memref<64xi32, #tpu.memory_space<hbm>>
          tpu.wait_dma2 semaphore(%arg18 : memref<!tpu.dma_semaphore, #tpu.memory_space<semaphore_mem>>) src(%dma_wait3A_176 : memref<64xi32, #tpu.memory_space<hbm>>) dst(%arg10 : memref<64xi32, #tpu.memory_space<vmem>>)
          %dma_wait3A_177 = arith.constant 0 : i32
          %dma_wait3A_178 = arith.constant 0 : i32
          %dma_wait3A_179 = tpu.memref_slice %arg9[%dma_wait3A_177, %dma_wait3A_178] : memref<80x64xi32, #tpu.memory_space<vmem>> -> memref<1x64xi32, #tpu.memory_space<vmem>>
          %dma_wait3A_180 = tpu.memref_squeeze %dma_wait3A_179 : memref<1x64xi32, #tpu.memory_space<vmem>> -> memref<64xi32, #tpu.memory_space<vmem>>
          %dma_wait3A_181 = arith.constant 0 : i32
          %dma_wait3A_182 = arith.constant 0 : i32
          %dma_wait3A_183 = tpu.memref_slice %arg30[%dma_wait3A_181, %dma_wait3A_182] : memref<10240x128xf32, #tpu.memory_space<vmem_shared>> -> memref<10240x128xf32, #tpu.memory_space<vmem_shared>>
          tpu.wait_indirect_dma semaphore(%arg26 : memref<!tpu.dma_semaphore, #tpu.memory_space<semaphore_mem>>) src(%arg14 : memref<64x128xf32, #tpu.memory_space<vmem>>) dst(%dma_wait3A_183 : memref<10240x128xf32, #tpu.memory_space<vmem_shared>>)
          %dma_start3A_184 = arith.constant 0 : i32
          %dma_start3A_185 = arith.constant 0 : i32
          %dma_start3A_186 = tpu.memref_slice %arg2[%dma_start3A_184, %dma_start3A_185] : memref<10000x128xf32, #tpu.memory_space<hbm>> -> memref<10000x128xf32, #tpu.memory_space<hbm>>
          tpu.enqueue_indirect_dma source(%dma_start3A_186 : memref<10000x128xf32, #tpu.memory_space<hbm>>) target(%arg14 : memref<64x128xf32, #tpu.memory_space<vmem>>) offsets(%arg10 : memref<64xi32, #tpu.memory_space<vmem>>) semaphore(%arg22 : memref<!tpu.dma_semaphore, #tpu.memory_space<semaphore_mem>>)
          %dma_wait3A_187 = tpu.memref_slice %arg5[%mul3A_4] : memref<163840xi32, #tpu.memory_space<hbm>> -> memref<64xi32, #tpu.memory_space<hbm>>
          %dma_wait3A_188 = tpu.memref_slice %arg5[%mul3A_4] : memref<163840xi32, #tpu.memory_space<hbm>> -> memref<64xi32, #tpu.memory_space<hbm>>
          tpu.wait_dma2 semaphore(%arg19 : memref<!tpu.dma_semaphore, #tpu.memory_space<semaphore_mem>>) src(%dma_wait3A_188 : memref<64xi32, #tpu.memory_space<hbm>>) dst(%arg11 : memref<64xi32, #tpu.memory_space<vmem>>)
          %dma_wait3A_189 = arith.constant 0 : i32
          %dma_wait3A_190 = arith.constant 0 : i32
          %dma_wait3A_191 = tpu.memref_slice %arg9[%dma_wait3A_189, %dma_wait3A_190] : memref<80x64xi32, #tpu.memory_space<vmem>> -> memref<1x64xi32, #tpu.memory_space<vmem>>
          %dma_wait3A_192 = tpu.memref_squeeze %dma_wait3A_191 : memref<1x64xi32, #tpu.memory_space<vmem>> -> memref<64xi32, #tpu.memory_space<vmem>>
          %dma_wait3A_193 = arith.constant 0 : i32
          %dma_wait3A_194 = arith.constant 0 : i32
          %dma_wait3A_195 = tpu.memref_slice %arg30[%dma_wait3A_193, %dma_wait3A_194] : memref<10240x128xf32, #tpu.memory_space<vmem_shared>> -> memref<10240x128xf32, #tpu.memory_space<vmem_shared>>
          tpu.wait_indirect_dma semaphore(%arg27 : memref<!tpu.dma_semaphore, #tpu.memory_space<semaphore_mem>>) src(%arg15 : memref<64x128xf32, #tpu.memory_space<vmem>>) dst(%dma_wait3A_195 : memref<10240x128xf32, #tpu.memory_space<vmem_shared>>)
          %dma_start3A_196 = arith.constant 0 : i32
          %dma_start3A_197 = arith.constant 0 : i32
          %dma_start3A_198 = tpu.memref_slice %arg2[%dma_start3A_196, %dma_start3A_197] : memref<10000x128xf32, #tpu.memory_space<hbm>> -> memref<10000x128xf32, #tpu.memory_space<hbm>>
          tpu.enqueue_indirect_dma source(%dma_start3A_198 : memref<10000x128xf32, #tpu.memory_space<hbm>>) target(%arg15 : memref<64x128xf32, #tpu.memory_space<vmem>>) offsets(%arg11 : memref<64xi32, #tpu.memory_space<vmem>>) semaphore(%arg23 : memref<!tpu.dma_semaphore, #tpu.memory_space<semaphore_mem>>)
          %dma_wait3A_199 = tpu.memref_slice %arg5[%mul3A_4] : memref<163840xi32, #tpu.memory_space<hbm>> -> memref<64xi32, #tpu.memory_space<hbm>>
          %dma_wait3A_200 = tpu.memref_slice %arg5[%mul3A_4] : memref<163840xi32, #tpu.memory_space<hbm>> -> memref<64xi32, #tpu.memory_space<hbm>>
          tpu.wait_dma2 semaphore(%arg20 : memref<!tpu.dma_semaphore, #tpu.memory_space<semaphore_mem>>) src(%dma_wait3A_200 : memref<64xi32, #tpu.memory_space<hbm>>) dst(%arg12 : memref<64xi32, #tpu.memory_space<vmem>>)
          %dma_wait3A_201 = arith.constant 0 : i32
          %dma_wait3A_202 = arith.constant 0 : i32
          %dma_wait3A_203 = tpu.memref_slice %arg9[%dma_wait3A_201, %dma_wait3A_202] : memref<80x64xi32, #tpu.memory_space<vmem>> -> memref<1x64xi32, #tpu.memory_space<vmem>>
          %dma_wait3A_204 = tpu.memref_squeeze %dma_wait3A_203 : memref<1x64xi32, #tpu.memory_space<vmem>> -> memref<64xi32, #tpu.memory_space<vmem>>
          %dma_wait3A_205 = arith.constant 0 : i32
          %dma_wait3A_206 = arith.constant 0 : i32
          %dma_wait3A_207 = tpu.memref_slice %arg30[%dma_wait3A_205, %dma_wait3A_206] : memref<10240x128xf32, #tpu.memory_space<vmem_shared>> -> memref<10240x128xf32, #tpu.memory_space<vmem_shared>>
          tpu.wait_indirect_dma semaphore(%arg28 : memref<!tpu.dma_semaphore, #tpu.memory_space<semaphore_mem>>) src(%arg16 : memref<64x128xf32, #tpu.memory_space<vmem>>) dst(%dma_wait3A_207 : memref<10240x128xf32, #tpu.memory_space<vmem_shared>>)
          %dma_start3A_208 = arith.constant 0 : i32
          %dma_start3A_209 = arith.constant 0 : i32
          %dma_start3A_210 = tpu.memref_slice %arg2[%dma_start3A_208, %dma_start3A_209] : memref<10000x128xf32, #tpu.memory_space<hbm>> -> memref<10000x128xf32, #tpu.memory_space<hbm>>
          tpu.enqueue_indirect_dma source(%dma_start3A_210 : memref<10000x128xf32, #tpu.memory_space<hbm>>) target(%arg16 : memref<64x128xf32, #tpu.memory_space<vmem>>) offsets(%arg12 : memref<64xi32, #tpu.memory_space<vmem>>) semaphore(%arg24 : memref<!tpu.dma_semaphore, #tpu.memory_space<semaphore_mem>>)
          %dma_wait3A_211 = tpu.memref_slice %arg5[%mul3A_4] : memref<163840xi32, #tpu.memory_space<hbm>> -> memref<64xi32, #tpu.memory_space<hbm>>
          %dma_wait3A_212 = tpu.memref_slice %arg5[%mul3A_4] : memref<163840xi32, #tpu.memory_space<hbm>> -> memref<64xi32, #tpu.memory_space<hbm>>
          tpu.wait_dma2 semaphore(%arg21 : memref<!tpu.dma_semaphore, #tpu.memory_space<semaphore_mem>>) src(%dma_wait3A_212 : memref<64xi32, #tpu.memory_space<hbm>>) dst(%arg13 : memref<64xi32, #tpu.memory_space<vmem>>)
          %dma_wait3A_213 = arith.constant 0 : i32
          %dma_wait3A_214 = arith.constant 0 : i32
          %dma_wait3A_215 = tpu.memref_slice %arg9[%dma_wait3A_213, %dma_wait3A_214] : memref<80x64xi32, #tpu.memory_space<vmem>> -> memref<1x64xi32, #tpu.memory_space<vmem>>
          %dma_wait3A_216 = tpu.memref_squeeze %dma_wait3A_215 : memref<1x64xi32, #tpu.memory_space<vmem>> -> memref<64xi32, #tpu.memory_space<vmem>>
          %dma_wait3A_217 = arith.constant 0 : i32
          %dma_wait3A_218 = arith.constant 0 : i32
          %dma_wait3A_219 = tpu.memref_slice %arg30[%dma_wait3A_217, %dma_wait3A_218] : memref<10240x128xf32, #tpu.memory_space<vmem_shared>> -> memref<10240x128xf32, #tpu.memory_space<vmem_shared>>
          tpu.wait_indirect_dma semaphore(%arg29 : memref<!tpu.dma_semaphore, #tpu.memory_space<semaphore_mem>>) src(%arg17 : memref<64x128xf32, #tpu.memory_space<vmem>>) dst(%dma_wait3A_219 : memref<10240x128xf32, #tpu.memory_space<vmem_shared>>)
          %dma_start3A_220 = arith.constant 0 : i32
          %dma_start3A_221 = arith.constant 0 : i32
          %dma_start3A_222 = tpu.memref_slice %arg2[%dma_start3A_220, %dma_start3A_221] : memref<10000x128xf32, #tpu.memory_space<hbm>> -> memref<10000x128xf32, #tpu.memory_space<hbm>>
          tpu.enqueue_indirect_dma source(%dma_start3A_222 : memref<10000x128xf32, #tpu.memory_space<hbm>>) target(%arg17 : memref<64x128xf32, #tpu.memory_space<vmem>>) offsets(%arg13 : memref<64xi32, #tpu.memory_space<vmem>>) semaphore(%arg25 : memref<!tpu.dma_semaphore, #tpu.memory_space<semaphore_mem>>)
        } else {
        }
      }
      %scan3A_59 = arith.constant 40 : i32
      %dma_wait3A_60 = arith.constant 0 : i32
      %dma_wait3A_61 = arith.constant 0 : i32
      %dma_wait3A_62 = tpu.memref_slice %arg9[%dma_wait3A_60, %dma_wait3A_61] : memref<80x64xi32, #tpu.memory_space<vmem>> -> memref<1x64xi32, #tpu.memory_space<vmem>>
      %dma_wait3A_63 = tpu.memref_squeeze %dma_wait3A_62 : memref<1x64xi32, #tpu.memory_space<vmem>> -> memref<64xi32, #tpu.memory_space<vmem>>
      %dma_wait3A_64 = arith.constant 0 : i32
      %dma_wait3A_65 = arith.constant 0 : i32
      %dma_wait3A_66 = tpu.memref_slice %arg30[%dma_wait3A_64, %dma_wait3A_65] : memref<10240x128xf32, #tpu.memory_space<vmem_shared>> -> memref<10240x128xf32, #tpu.memory_space<vmem_shared>>
      tpu.wait_indirect_dma semaphore(%arg26 : memref<!tpu.dma_semaphore, #tpu.memory_space<semaphore_mem>>) src(%arg14 : memref<64x128xf32, #tpu.memory_space<vmem>>) dst(%dma_wait3A_66 : memref<10240x128xf32, #tpu.memory_space<vmem_shared>>)
      %dma_wait3A_67 = arith.constant 0 : i32
      %dma_wait3A_68 = arith.constant 0 : i32
      %dma_wait3A_69 = tpu.memref_slice %arg9[%dma_wait3A_67, %dma_wait3A_68] : memref<80x64xi32, #tpu.memory_space<vmem>> -> memref<1x64xi32, #tpu.memory_space<vmem>>
      %dma_wait3A_70 = tpu.memref_squeeze %dma_wait3A_69 : memref<1x64xi32, #tpu.memory_space<vmem>> -> memref<64xi32, #tpu.memory_space<vmem>>
      %dma_wait3A_71 = arith.constant 0 : i32
      %dma_wait3A_72 = arith.constant 0 : i32
      %dma_wait3A_73 = tpu.memref_slice %arg30[%dma_wait3A_71, %dma_wait3A_72] : memref<10240x128xf32, #tpu.memory_space<vmem_shared>> -> memref<10240x128xf32, #tpu.memory_space<vmem_shared>>
      tpu.wait_indirect_dma semaphore(%arg27 : memref<!tpu.dma_semaphore, #tpu.memory_space<semaphore_mem>>) src(%arg15 : memref<64x128xf32, #tpu.memory_space<vmem>>) dst(%dma_wait3A_73 : memref<10240x128xf32, #tpu.memory_space<vmem_shared>>)
      %dma_wait3A_74 = arith.constant 0 : i32
      %dma_wait3A_75 = arith.constant 0 : i32
      %dma_wait3A_76 = tpu.memref_slice %arg9[%dma_wait3A_74, %dma_wait3A_75] : memref<80x64xi32, #tpu.memory_space<vmem>> -> memref<1x64xi32, #tpu.memory_space<vmem>>
      %dma_wait3A_77 = tpu.memref_squeeze %dma_wait3A_76 : memref<1x64xi32, #tpu.memory_space<vmem>> -> memref<64xi32, #tpu.memory_space<vmem>>
      %dma_wait3A_78 = arith.constant 0 : i32
      %dma_wait3A_79 = arith.constant 0 : i32
      %dma_wait3A_80 = tpu.memref_slice %arg30[%dma_wait3A_78, %dma_wait3A_79] : memref<10240x128xf32, #tpu.memory_space<vmem_shared>> -> memref<10240x128xf32, #tpu.memory_space<vmem_shared>>
      tpu.wait_indirect_dma semaphore(%arg28 : memref<!tpu.dma_semaphore, #tpu.memory_space<semaphore_mem>>) src(%arg16 : memref<64x128xf32, #tpu.memory_space<vmem>>) dst(%dma_wait3A_80 : memref<10240x128xf32, #tpu.memory_space<vmem_shared>>)
      %dma_wait3A_81 = arith.constant 0 : i32
      %dma_wait3A_82 = arith.constant 0 : i32
      %dma_wait3A_83 = tpu.memref_slice %arg9[%dma_wait3A_81, %dma_wait3A_82] : memref<80x64xi32, #tpu.memory_space<vmem>> -> memref<1x64xi32, #tpu.memory_space<vmem>>
      %dma_wait3A_84 = tpu.memref_squeeze %dma_wait3A_83 : memref<1x64xi32, #tpu.memory_space<vmem>> -> memref<64xi32, #tpu.memory_space<vmem>>
      %dma_wait3A_85 = arith.constant 0 : i32
      %dma_wait3A_86 = arith.constant 0 : i32
      %dma_wait3A_87 = tpu.memref_slice %arg30[%dma_wait3A_85, %dma_wait3A_86] : memref<10240x128xf32, #tpu.memory_space<vmem_shared>> -> memref<10240x128xf32, #tpu.memory_space<vmem_shared>>
      tpu.wait_indirect_dma semaphore(%arg29 : memref<!tpu.dma_semaphore, #tpu.memory_space<semaphore_mem>>) src(%arg17 : memref<64x128xf32, #tpu.memory_space<vmem>>) dst(%dma_wait3A_87 : memref<10240x128xf32, #tpu.memory_space<vmem_shared>>)
    } else {
    }
    %eq3A_7 = arith.constant 1 : i32
    %eq3A_8 = arith.cmpi eq, %arg0, %eq3A_7 : i32
    %convert_element_type3A_9 = arith.extui %eq3A_8 : i1 to i32
    %cond3A_10 = arith.constant 0 : i32
    %cond3A_11 = arith.cmpi ne, %convert_element_type3A_9, %cond3A_10 : i32
    scf.if %cond3A_11 {
      %add3A = arith.constant 0 : i32
      %add3A_23 = arith.addi %mul3A_4, %add3A : i32
      %dma_start3A = tpu.memref_slice %arg5[%add3A_23] : memref<163840xi32, #tpu.memory_space<hbm>> -> memref<64xi32, #tpu.memory_space<hbm>>
      %dma_start3A_24 = tpu.memref_slice %arg5[%add3A_23] : memref<163840xi32, #tpu.memory_space<hbm>> -> memref<64xi32, #tpu.memory_space<hbm>>
      tpu.enqueue_dma source(%dma_start3A_24 : memref<64xi32, #tpu.memory_space<hbm>>) target(%arg10 : memref<64xi32, #tpu.memory_space<vmem>>) target_semaphore(%arg18 : memref<!tpu.dma_semaphore, #tpu.memory_space<semaphore_mem>>)
      %add3A_25 = arith.constant 64 : i32
      %add3A_26 = arith.addi %mul3A_4, %add3A_25 : i32
      %dma_start3A_27 = tpu.memref_slice %arg5[%add3A_26] : memref<163840xi32, #tpu.memory_space<hbm>> -> memref<64xi32, #tpu.memory_space<hbm>>
      %dma_start3A_28 = tpu.memref_slice %arg5[%add3A_26] : memref<163840xi32, #tpu.memory_space<hbm>> -> memref<64xi32, #tpu.memory_space<hbm>>
      tpu.enqueue_dma source(%dma_start3A_28 : memref<64xi32, #tpu.memory_space<hbm>>) target(%arg11 : memref<64xi32, #tpu.memory_space<vmem>>) target_semaphore(%arg19 : memref<!tpu.dma_semaphore, #tpu.memory_space<semaphore_mem>>)
      %add3A_29 = arith.constant 128 : i32
      %add3A_30 = arith.addi %mul3A_4, %add3A_29 : i32
      %dma_start3A_31 = tpu.memref_slice %arg5[%add3A_30] : memref<163840xi32, #tpu.memory_space<hbm>> -> memref<64xi32, #tpu.memory_space<hbm>>
      %dma_start3A_32 = tpu.memref_slice %arg5[%add3A_30] : memref<163840xi32, #tpu.memory_space<hbm>> -> memref<64xi32, #tpu.memory_space<hbm>>
      tpu.enqueue_dma source(%dma_start3A_32 : memref<64xi32, #tpu.memory_space<hbm>>) target(%arg12 : memref<64xi32, #tpu.memory_space<vmem>>) target_semaphore(%arg20 : memref<!tpu.dma_semaphore, #tpu.memory_space<semaphore_mem>>)
      %add3A_33 = arith.constant 192 : i32
      %add3A_34 = arith.addi %mul3A_4, %add3A_33 : i32
      %dma_start3A_35 = tpu.memref_slice %arg5[%add3A_34] : memref<163840xi32, #tpu.memory_space<hbm>> -> memref<64xi32, #tpu.memory_space<hbm>>
      %dma_start3A_36 = tpu.memref_slice %arg5[%add3A_34] : memref<163840xi32, #tpu.memory_space<hbm>> -> memref<64xi32, #tpu.memory_space<hbm>>
      tpu.enqueue_dma source(%dma_start3A_36 : memref<64xi32, #tpu.memory_space<hbm>>) target(%arg13 : memref<64xi32, #tpu.memory_space<vmem>>) target_semaphore(%arg21 : memref<!tpu.dma_semaphore, #tpu.memory_space<semaphore_mem>>)
      %dma_wait3A = tpu.memref_slice %arg5[%mul3A_4] : memref<163840xi32, #tpu.memory_space<hbm>> -> memref<64xi32, #tpu.memory_space<hbm>>
      %dma_wait3A_37 = tpu.memref_slice %arg5[%mul3A_4] : memref<163840xi32, #tpu.memory_space<hbm>> -> memref<64xi32, #tpu.memory_space<hbm>>
      tpu.wait_dma2 semaphore(%arg18 : memref<!tpu.dma_semaphore, #tpu.memory_space<semaphore_mem>>) src(%dma_wait3A_37 : memref<64xi32, #tpu.memory_space<hbm>>) dst(%arg10 : memref<64xi32, #tpu.memory_space<vmem>>)
      %dma_start3A_38 = arith.constant 0 : i32
      %dma_start3A_39 = arith.constant 0 : i32
      %dma_start3A_40 = tpu.memref_slice %arg3[%dma_start3A_38, %dma_start3A_39] : memref<10000x128xf32, #tpu.memory_space<hbm>> -> memref<10000x128xf32, #tpu.memory_space<hbm>>
      tpu.enqueue_indirect_dma source(%dma_start3A_40 : memref<10000x128xf32, #tpu.memory_space<hbm>>) target(%arg14 : memref<64x128xf32, #tpu.memory_space<vmem>>) offsets(%arg10 : memref<64xi32, #tpu.memory_space<vmem>>) semaphore(%arg22 : memref<!tpu.dma_semaphore, #tpu.memory_space<semaphore_mem>>)
      %dma_wait3A_41 = tpu.memref_slice %arg5[%mul3A_4] : memref<163840xi32, #tpu.memory_space<hbm>> -> memref<64xi32, #tpu.memory_space<hbm>>
      %dma_wait3A_42 = tpu.memref_slice %arg5[%mul3A_4] : memref<163840xi32, #tpu.memory_space<hbm>> -> memref<64xi32, #tpu.memory_space<hbm>>
      tpu.wait_dma2 semaphore(%arg19 : memref<!tpu.dma_semaphore, #tpu.memory_space<semaphore_mem>>) src(%dma_wait3A_42 : memref<64xi32, #tpu.memory_space<hbm>>) dst(%arg11 : memref<64xi32, #tpu.memory_space<vmem>>)
      %dma_start3A_43 = arith.constant 0 : i32
      %dma_start3A_44 = arith.constant 0 : i32
      %dma_start3A_45 = tpu.memref_slice %arg3[%dma_start3A_43, %dma_start3A_44] : memref<10000x128xf32, #tpu.memory_space<hbm>> -> memref<10000x128xf32, #tpu.memory_space<hbm>>
      tpu.enqueue_indirect_dma source(%dma_start3A_45 : memref<10000x128xf32, #tpu.memory_space<hbm>>) target(%arg15 : memref<64x128xf32, #tpu.memory_space<vmem>>) offsets(%arg11 : memref<64xi32, #tpu.memory_space<vmem>>) semaphore(%arg23 : memref<!tpu.dma_semaphore, #tpu.memory_space<semaphore_mem>>)
      %dma_wait3A_46 = tpu.memref_slice %arg5[%mul3A_4] : memref<163840xi32, #tpu.memory_space<hbm>> -> memref<64xi32, #tpu.memory_space<hbm>>
      %dma_wait3A_47 = tpu.memref_slice %arg5[%mul3A_4] : memref<163840xi32, #tpu.memory_space<hbm>> -> memref<64xi32, #tpu.memory_space<hbm>>
      tpu.wait_dma2 semaphore(%arg20 : memref<!tpu.dma_semaphore, #tpu.memory_space<semaphore_mem>>) src(%dma_wait3A_47 : memref<64xi32, #tpu.memory_space<hbm>>) dst(%arg12 : memref<64xi32, #tpu.memory_space<vmem>>)
      %dma_start3A_48 = arith.constant 0 : i32
      %dma_start3A_49 = arith.constant 0 : i32
      %dma_start3A_50 = tpu.memref_slice %arg3[%dma_start3A_48, %dma_start3A_49] : memref<10000x128xf32, #tpu.memory_space<hbm>> -> memref<10000x128xf32, #tpu.memory_space<hbm>>
      tpu.enqueue_indirect_dma source(%dma_start3A_50 : memref<10000x128xf32, #tpu.memory_space<hbm>>) target(%arg16 : memref<64x128xf32, #tpu.memory_space<vmem>>) offsets(%arg12 : memref<64xi32, #tpu.memory_space<vmem>>) semaphore(%arg24 : memref<!tpu.dma_semaphore, #tpu.memory_space<semaphore_mem>>)
      %dma_wait3A_51 = tpu.memref_slice %arg5[%mul3A_4] : memref<163840xi32, #tpu.memory_space<hbm>> -> memref<64xi32, #tpu.memory_space<hbm>>
      %dma_wait3A_52 = tpu.memref_slice %arg5[%mul3A_4] : memref<163840xi32, #tpu.memory_space<hbm>> -> memref<64xi32, #tpu.memory_space<hbm>>
      tpu.wait_dma2 semaphore(%arg21 : memref<!tpu.dma_semaphore, #tpu.memory_space<semaphore_mem>>) src(%dma_wait3A_52 : memref<64xi32, #tpu.memory_space<hbm>>) dst(%arg13 : memref<64xi32, #tpu.memory_space<vmem>>)
      %dma_start3A_53 = arith.constant 0 : i32
      %dma_start3A_54 = arith.constant 0 : i32
      %dma_start3A_55 = tpu.memref_slice %arg3[%dma_start3A_53, %dma_start3A_54] : memref<10000x128xf32, #tpu.memory_space<hbm>> -> memref<10000x128xf32, #tpu.memory_space<hbm>>
      tpu.enqueue_indirect_dma source(%dma_start3A_55 : memref<10000x128xf32, #tpu.memory_space<hbm>>) target(%arg17 : memref<64x128xf32, #tpu.memory_space<vmem>>) offsets(%arg13 : memref<64xi32, #tpu.memory_space<vmem>>) semaphore(%arg25 : memref<!tpu.dma_semaphore, #tpu.memory_space<semaphore_mem>>)
      %scan3A = arith.constant 0 : i32
      %scan3A_56 = arith.constant 40 : i32
      %scan3A_57 = arith.addi %scan3A, %scan3A_56 : i32
      %scan3A_58 = arith.constant 1 : i32
      scf.for %scan3A_88 = %scan3A to %scan3A_57 step %scan3A_58  : i32 {
        %mul3A_89 = arith.constant 1 : i32
        %mul3A_90 = arith.muli %scan3A_88, %mul3A_89 : i32
        %add3A_91 = arith.constant 0 : i32
        %add3A_92 = arith.addi %add3A_91, %mul3A_90 : i32
        %mul3A_93 = arith.constant 4 : i32
        %mul3A_94 = arith.muli %mul3A_93, %add3A_92 : i32
        %eq3A_95 = arith.constant 20 : i32
        %eq3A_96 = arith.cmpi eq, %add3A_92, %eq3A_95 : i32
        %convert_element_type3A_97 = arith.extui %eq3A_96 : i1 to i32
        %cond3A_98 = arith.constant 0 : i32
        %cond3A_99 = arith.cmpi ne, %convert_element_type3A_97, %cond3A_98 : i32
        scf.if %cond3A_99 {
          %mul3A_175 = arith.constant 160 : i32
          %mul3A_176 = arith.muli %arg1, %mul3A_175 : i32
          %add3A_177 = arith.constant 80 : i32
          %add3A_178 = arith.addi %mul3A_176, %add3A_177 : i32
          "tpu.region"() ({
            %run_scoped3A = tpu.sem_alloc : memref<!tpu.dma_semaphore, #tpu.memory_space<semaphore_mem>>
            %dma_start3A_179 = arith.constant 0 : i32
            %dma_start3A_180 = tpu.memref_slice %arg4[%add3A_178, %dma_start3A_179] : memref<2560x64xi32, #tpu.memory_space<hbm>> -> memref<80x64xi32, #tpu.memory_space<hbm>>
            %dma_start3A_181 = arith.constant 0 : i32
            %dma_start3A_182 = tpu.memref_slice %arg4[%add3A_178, %dma_start3A_181] : memref<2560x64xi32, #tpu.memory_space<hbm>> -> memref<80x64xi32, #tpu.memory_space<hbm>>
            tpu.enqueue_dma source(%dma_start3A_182 : memref<80x64xi32, #tpu.memory_space<hbm>>) target(%arg9 : memref<80x64xi32, #tpu.memory_space<vmem>>) target_semaphore(%run_scoped3A : memref<!tpu.dma_semaphore, #tpu.memory_space<semaphore_mem>>)
            %dma_wait3A_183 = arith.constant 0 : i32
            %dma_wait3A_184 = tpu.memref_slice %arg4[%add3A_178, %dma_wait3A_183] : memref<2560x64xi32, #tpu.memory_space<hbm>> -> memref<80x64xi32, #tpu.memory_space<hbm>>
            %dma_wait3A_185 = arith.constant 0 : i32
            %dma_wait3A_186 = tpu.memref_slice %arg4[%add3A_178, %dma_wait3A_185] : memref<2560x64xi32, #tpu.memory_space<hbm>> -> memref<80x64xi32, #tpu.memory_space<hbm>>
            tpu.wait_dma2 semaphore(%run_scoped3A : memref<!tpu.dma_semaphore, #tpu.memory_space<semaphore_mem>>) src(%dma_wait3A_186 : memref<80x64xi32, #tpu.memory_space<hbm>>) dst(%arg9 : memref<80x64xi32, #tpu.memory_space<vmem>>)
            tpu.yield
          }) : () -> ()
        } else {
        }
        %dma_wait3A_100 = arith.constant 0 : i32
        %dma_wait3A_101 = arith.constant 0 : i32
        %dma_wait3A_102 = tpu.memref_slice %arg3[%dma_wait3A_100, %dma_wait3A_101] : memref<10000x128xf32, #tpu.memory_space<hbm>> -> memref<10000x128xf32, #tpu.memory_space<hbm>>
        tpu.wait_indirect_dma semaphore(%arg22 : memref<!tpu.dma_semaphore, #tpu.memory_space<semaphore_mem>>) src(%dma_wait3A_102 : memref<10000x128xf32, #tpu.memory_space<hbm>>) dst(%arg14 : memref<64x128xf32, #tpu.memory_space<vmem>>)
        %add3A_103 = arith.constant 0 : i32
        %add3A_104 = arith.addi %mul3A_94, %add3A_103 : i32
        %rem3A = arith.constant 80 : i32
        %rem3A_105 = arith.remsi %add3A_104, %rem3A : i32
        %dma_start3A_106 = arith.constant 0 : i32
        %dma_start3A_107 = tpu.memref_slice %arg9[%rem3A_105, %dma_start3A_106] : memref<80x64xi32, #tpu.memory_space<vmem>> -> memref<1x64xi32, #tpu.memory_space<vmem>>
        %dma_start3A_108 = tpu.memref_squeeze %dma_start3A_107 : memref<1x64xi32, #tpu.memory_space<vmem>> -> memref<64xi32, #tpu.memory_space<vmem>>
        %dma_start3A_109 = arith.constant 0 : i32
        %dma_start3A_110 = arith.constant 0 : i32
        %dma_start3A_111 = tpu.memref_slice %arg30[%dma_start3A_109, %dma_start3A_110] : memref<10240x128xf32, #tpu.memory_space<vmem_shared>> -> memref<10240x128xf32, #tpu.memory_space<vmem_shared>>
        tpu.enqueue_indirect_dma source(%arg14 : memref<64x128xf32, #tpu.memory_space<vmem>>) target(%dma_start3A_111 : memref<10240x128xf32, #tpu.memory_space<vmem_shared>>) offsets(%dma_start3A_108 : memref<64xi32, #tpu.memory_space<vmem>>) semaphore(%arg26 : memref<!tpu.dma_semaphore, #tpu.memory_space<semaphore_mem>>) {add = true}
        %lt3A = arith.constant 39 : i32
        %lt3A_112 = arith.cmpi slt, %add3A_92, %lt3A : i32
        %convert_element_type3A_113 = arith.extui %lt3A_112 : i1 to i32
        %cond3A_114 = arith.constant 0 : i32
        %cond3A_115 = arith.cmpi ne, %convert_element_type3A_113, %cond3A_114 : i32
        scf.if %cond3A_115 {
          %add3A_175 = arith.constant 0 : i32
          %add3A_176 = arith.addi %mul3A_94, %add3A_175 : i32
          %add3A_177 = arith.constant 4 : i32
          %add3A_178 = arith.addi %add3A_176, %add3A_177 : i32
          %mul3A_179 = arith.constant 64 : i32
          %mul3A_180 = arith.muli %add3A_178, %mul3A_179 : i32
          %add3A_181 = arith.addi %mul3A_4, %mul3A_180 : i32
          %dma_start3A_182 = tpu.memref_slice %arg5[%add3A_181] : memref<163840xi32, #tpu.memory_space<hbm>> -> memref<64xi32, #tpu.memory_space<hbm>>
          %dma_start3A_183 = tpu.memref_slice %arg5[%add3A_181] : memref<163840xi32, #tpu.memory_space<hbm>> -> memref<64xi32, #tpu.memory_space<hbm>>
          tpu.enqueue_dma source(%dma_start3A_183 : memref<64xi32, #tpu.memory_space<hbm>>) target(%arg10 : memref<64xi32, #tpu.memory_space<vmem>>) target_semaphore(%arg18 : memref<!tpu.dma_semaphore, #tpu.memory_space<semaphore_mem>>)
        } else {
        }
        %dma_wait3A_116 = arith.constant 0 : i32
        %dma_wait3A_117 = arith.constant 0 : i32
        %dma_wait3A_118 = tpu.memref_slice %arg3[%dma_wait3A_116, %dma_wait3A_117] : memref<10000x128xf32, #tpu.memory_space<hbm>> -> memref<10000x128xf32, #tpu.memory_space<hbm>>
        tpu.wait_indirect_dma semaphore(%arg23 : memref<!tpu.dma_semaphore, #tpu.memory_space<semaphore_mem>>) src(%dma_wait3A_118 : memref<10000x128xf32, #tpu.memory_space<hbm>>) dst(%arg15 : memref<64x128xf32, #tpu.memory_space<vmem>>)
        %add3A_119 = arith.constant 1 : i32
        %add3A_120 = arith.addi %mul3A_94, %add3A_119 : i32
        %rem3A_121 = arith.constant 80 : i32
        %rem3A_122 = arith.remsi %add3A_120, %rem3A_121 : i32
        %dma_start3A_123 = arith.constant 0 : i32
        %dma_start3A_124 = tpu.memref_slice %arg9[%rem3A_122, %dma_start3A_123] : memref<80x64xi32, #tpu.memory_space<vmem>> -> memref<1x64xi32, #tpu.memory_space<vmem>>
        %dma_start3A_125 = tpu.memref_squeeze %dma_start3A_124 : memref<1x64xi32, #tpu.memory_space<vmem>> -> memref<64xi32, #tpu.memory_space<vmem>>
        %dma_start3A_126 = arith.constant 0 : i32
        %dma_start3A_127 = arith.constant 0 : i32
        %dma_start3A_128 = tpu.memref_slice %arg30[%dma_start3A_126, %dma_start3A_127] : memref<10240x128xf32, #tpu.memory_space<vmem_shared>> -> memref<10240x128xf32, #tpu.memory_space<vmem_shared>>
        tpu.enqueue_indirect_dma source(%arg15 : memref<64x128xf32, #tpu.memory_space<vmem>>) target(%dma_start3A_128 : memref<10240x128xf32, #tpu.memory_space<vmem_shared>>) offsets(%dma_start3A_125 : memref<64xi32, #tpu.memory_space<vmem>>) semaphore(%arg27 : memref<!tpu.dma_semaphore, #tpu.memory_space<semaphore_mem>>) {add = true}
        %lt3A_129 = arith.constant 39 : i32
        %lt3A_130 = arith.cmpi slt, %add3A_92, %lt3A_129 : i32
        %convert_element_type3A_131 = arith.extui %lt3A_130 : i1 to i32
        %cond3A_132 = arith.constant 0 : i32
        %cond3A_133 = arith.cmpi ne, %convert_element_type3A_131, %cond3A_132 : i32
        scf.if %cond3A_133 {
          %add3A_175 = arith.constant 1 : i32
          %add3A_176 = arith.addi %mul3A_94, %add3A_175 : i32
          %add3A_177 = arith.constant 4 : i32
          %add3A_178 = arith.addi %add3A_176, %add3A_177 : i32
          %mul3A_179 = arith.constant 64 : i32
          %mul3A_180 = arith.muli %add3A_178, %mul3A_179 : i32
          %add3A_181 = arith.addi %mul3A_4, %mul3A_180 : i32
          %dma_start3A_182 = tpu.memref_slice %arg5[%add3A_181] : memref<163840xi32, #tpu.memory_space<hbm>> -> memref<64xi32, #tpu.memory_space<hbm>>
          %dma_start3A_183 = tpu.memref_slice %arg5[%add3A_181] : memref<163840xi32, #tpu.memory_space<hbm>> -> memref<64xi32, #tpu.memory_space<hbm>>
          tpu.enqueue_dma source(%dma_start3A_183 : memref<64xi32, #tpu.memory_space<hbm>>) target(%arg11 : memref<64xi32, #tpu.memory_space<vmem>>) target_semaphore(%arg19 : memref<!tpu.dma_semaphore, #tpu.memory_space<semaphore_mem>>)
        } else {
        }
        %dma_wait3A_134 = arith.constant 0 : i32
        %dma_wait3A_135 = arith.constant 0 : i32
        %dma_wait3A_136 = tpu.memref_slice %arg3[%dma_wait3A_134, %dma_wait3A_135] : memref<10000x128xf32, #tpu.memory_space<hbm>> -> memref<10000x128xf32, #tpu.memory_space<hbm>>
        tpu.wait_indirect_dma semaphore(%arg24 : memref<!tpu.dma_semaphore, #tpu.memory_space<semaphore_mem>>) src(%dma_wait3A_136 : memref<10000x128xf32, #tpu.memory_space<hbm>>) dst(%arg16 : memref<64x128xf32, #tpu.memory_space<vmem>>)
        %add3A_137 = arith.constant 2 : i32
        %add3A_138 = arith.addi %mul3A_94, %add3A_137 : i32
        %rem3A_139 = arith.constant 80 : i32
        %rem3A_140 = arith.remsi %add3A_138, %rem3A_139 : i32
        %dma_start3A_141 = arith.constant 0 : i32
        %dma_start3A_142 = tpu.memref_slice %arg9[%rem3A_140, %dma_start3A_141] : memref<80x64xi32, #tpu.memory_space<vmem>> -> memref<1x64xi32, #tpu.memory_space<vmem>>
        %dma_start3A_143 = tpu.memref_squeeze %dma_start3A_142 : memref<1x64xi32, #tpu.memory_space<vmem>> -> memref<64xi32, #tpu.memory_space<vmem>>
        %dma_start3A_144 = arith.constant 0 : i32
        %dma_start3A_145 = arith.constant 0 : i32
        %dma_start3A_146 = tpu.memref_slice %arg30[%dma_start3A_144, %dma_start3A_145] : memref<10240x128xf32, #tpu.memory_space<vmem_shared>> -> memref<10240x128xf32, #tpu.memory_space<vmem_shared>>
        tpu.enqueue_indirect_dma source(%arg16 : memref<64x128xf32, #tpu.memory_space<vmem>>) target(%dma_start3A_146 : memref<10240x128xf32, #tpu.memory_space<vmem_shared>>) offsets(%dma_start3A_143 : memref<64xi32, #tpu.memory_space<vmem>>) semaphore(%arg28 : memref<!tpu.dma_semaphore, #tpu.memory_space<semaphore_mem>>) {add = true}
        %lt3A_147 = arith.constant 39 : i32
        %lt3A_148 = arith.cmpi slt, %add3A_92, %lt3A_147 : i32
        %convert_element_type3A_149 = arith.extui %lt3A_148 : i1 to i32
        %cond3A_150 = arith.constant 0 : i32
        %cond3A_151 = arith.cmpi ne, %convert_element_type3A_149, %cond3A_150 : i32
        scf.if %cond3A_151 {
          %add3A_175 = arith.constant 2 : i32
          %add3A_176 = arith.addi %mul3A_94, %add3A_175 : i32
          %add3A_177 = arith.constant 4 : i32
          %add3A_178 = arith.addi %add3A_176, %add3A_177 : i32
          %mul3A_179 = arith.constant 64 : i32
          %mul3A_180 = arith.muli %add3A_178, %mul3A_179 : i32
          %add3A_181 = arith.addi %mul3A_4, %mul3A_180 : i32
          %dma_start3A_182 = tpu.memref_slice %arg5[%add3A_181] : memref<163840xi32, #tpu.memory_space<hbm>> -> memref<64xi32, #tpu.memory_space<hbm>>
          %dma_start3A_183 = tpu.memref_slice %arg5[%add3A_181] : memref<163840xi32, #tpu.memory_space<hbm>> -> memref<64xi32, #tpu.memory_space<hbm>>
          tpu.enqueue_dma source(%dma_start3A_183 : memref<64xi32, #tpu.memory_space<hbm>>) target(%arg12 : memref<64xi32, #tpu.memory_space<vmem>>) target_semaphore(%arg20 : memref<!tpu.dma_semaphore, #tpu.memory_space<semaphore_mem>>)
        } else {
        }
        %dma_wait3A_152 = arith.constant 0 : i32
        %dma_wait3A_153 = arith.constant 0 : i32
        %dma_wait3A_154 = tpu.memref_slice %arg3[%dma_wait3A_152, %dma_wait3A_153] : memref<10000x128xf32, #tpu.memory_space<hbm>> -> memref<10000x128xf32, #tpu.memory_space<hbm>>
        tpu.wait_indirect_dma semaphore(%arg25 : memref<!tpu.dma_semaphore, #tpu.memory_space<semaphore_mem>>) src(%dma_wait3A_154 : memref<10000x128xf32, #tpu.memory_space<hbm>>) dst(%arg17 : memref<64x128xf32, #tpu.memory_space<vmem>>)
        %add3A_155 = arith.constant 3 : i32
        %add3A_156 = arith.addi %mul3A_94, %add3A_155 : i32
        %rem3A_157 = arith.constant 80 : i32
        %rem3A_158 = arith.remsi %add3A_156, %rem3A_157 : i32
        %dma_start3A_159 = arith.constant 0 : i32
        %dma_start3A_160 = tpu.memref_slice %arg9[%rem3A_158, %dma_start3A_159] : memref<80x64xi32, #tpu.memory_space<vmem>> -> memref<1x64xi32, #tpu.memory_space<vmem>>
        %dma_start3A_161 = tpu.memref_squeeze %dma_start3A_160 : memref<1x64xi32, #tpu.memory_space<vmem>> -> memref<64xi32, #tpu.memory_space<vmem>>
        %dma_start3A_162 = arith.constant 0 : i32
        %dma_start3A_163 = arith.constant 0 : i32
        %dma_start3A_164 = tpu.memref_slice %arg30[%dma_start3A_162, %dma_start3A_163] : memref<10240x128xf32, #tpu.memory_space<vmem_shared>> -> memref<10240x128xf32, #tpu.memory_space<vmem_shared>>
        tpu.enqueue_indirect_dma source(%arg17 : memref<64x128xf32, #tpu.memory_space<vmem>>) target(%dma_start3A_164 : memref<10240x128xf32, #tpu.memory_space<vmem_shared>>) offsets(%dma_start3A_161 : memref<64xi32, #tpu.memory_space<vmem>>) semaphore(%arg29 : memref<!tpu.dma_semaphore, #tpu.memory_space<semaphore_mem>>) {add = true}
        %lt3A_165 = arith.constant 39 : i32
        %lt3A_166 = arith.cmpi slt, %add3A_92, %lt3A_165 : i32
        %convert_element_type3A_167 = arith.extui %lt3A_166 : i1 to i32
        %cond3A_168 = arith.constant 0 : i32
        %cond3A_169 = arith.cmpi ne, %convert_element_type3A_167, %cond3A_168 : i32
        scf.if %cond3A_169 {
          %add3A_175 = arith.constant 3 : i32
          %add3A_176 = arith.addi %mul3A_94, %add3A_175 : i32
          %add3A_177 = arith.constant 4 : i32
          %add3A_178 = arith.addi %add3A_176, %add3A_177 : i32
          %mul3A_179 = arith.constant 64 : i32
          %mul3A_180 = arith.muli %add3A_178, %mul3A_179 : i32
          %add3A_181 = arith.addi %mul3A_4, %mul3A_180 : i32
          %dma_start3A_182 = tpu.memref_slice %arg5[%add3A_181] : memref<163840xi32, #tpu.memory_space<hbm>> -> memref<64xi32, #tpu.memory_space<hbm>>
          %dma_start3A_183 = tpu.memref_slice %arg5[%add3A_181] : memref<163840xi32, #tpu.memory_space<hbm>> -> memref<64xi32, #tpu.memory_space<hbm>>
          tpu.enqueue_dma source(%dma_start3A_183 : memref<64xi32, #tpu.memory_space<hbm>>) target(%arg13 : memref<64xi32, #tpu.memory_space<vmem>>) target_semaphore(%arg21 : memref<!tpu.dma_semaphore, #tpu.memory_space<semaphore_mem>>)
        } else {
        }
        %lt3A_170 = arith.constant 39 : i32
        %lt3A_171 = arith.cmpi slt, %add3A_92, %lt3A_170 : i32
        %convert_element_type3A_172 = arith.extui %lt3A_171 : i1 to i32
        %cond3A_173 = arith.constant 0 : i32
        %cond3A_174 = arith.cmpi ne, %convert_element_type3A_172, %cond3A_173 : i32
        scf.if %cond3A_174 {
          %dma_wait3A_175 = tpu.memref_slice %arg5[%mul3A_4] : memref<163840xi32, #tpu.memory_space<hbm>> -> memref<64xi32, #tpu.memory_space<hbm>>
          %dma_wait3A_176 = tpu.memref_slice %arg5[%mul3A_4] : memref<163840xi32, #tpu.memory_space<hbm>> -> memref<64xi32, #tpu.memory_space<hbm>>
          tpu.wait_dma2 semaphore(%arg18 : memref<!tpu.dma_semaphore, #tpu.memory_space<semaphore_mem>>) src(%dma_wait3A_176 : memref<64xi32, #tpu.memory_space<hbm>>) dst(%arg10 : memref<64xi32, #tpu.memory_space<vmem>>)
          %dma_wait3A_177 = arith.constant 0 : i32
          %dma_wait3A_178 = arith.constant 0 : i32
          %dma_wait3A_179 = tpu.memref_slice %arg9[%dma_wait3A_177, %dma_wait3A_178] : memref<80x64xi32, #tpu.memory_space<vmem>> -> memref<1x64xi32, #tpu.memory_space<vmem>>
          %dma_wait3A_180 = tpu.memref_squeeze %dma_wait3A_179 : memref<1x64xi32, #tpu.memory_space<vmem>> -> memref<64xi32, #tpu.memory_space<vmem>>
          %dma_wait3A_181 = arith.constant 0 : i32
          %dma_wait3A_182 = arith.constant 0 : i32
          %dma_wait3A_183 = tpu.memref_slice %arg30[%dma_wait3A_181, %dma_wait3A_182] : memref<10240x128xf32, #tpu.memory_space<vmem_shared>> -> memref<10240x128xf32, #tpu.memory_space<vmem_shared>>
          tpu.wait_indirect_dma semaphore(%arg26 : memref<!tpu.dma_semaphore, #tpu.memory_space<semaphore_mem>>) src(%arg14 : memref<64x128xf32, #tpu.memory_space<vmem>>) dst(%dma_wait3A_183 : memref<10240x128xf32, #tpu.memory_space<vmem_shared>>)
          %dma_start3A_184 = arith.constant 0 : i32
          %dma_start3A_185 = arith.constant 0 : i32
          %dma_start3A_186 = tpu.memref_slice %arg3[%dma_start3A_184, %dma_start3A_185] : memref<10000x128xf32, #tpu.memory_space<hbm>> -> memref<10000x128xf32, #tpu.memory_space<hbm>>
          tpu.enqueue_indirect_dma source(%dma_start3A_186 : memref<10000x128xf32, #tpu.memory_space<hbm>>) target(%arg14 : memref<64x128xf32, #tpu.memory_space<vmem>>) offsets(%arg10 : memref<64xi32, #tpu.memory_space<vmem>>) semaphore(%arg22 : memref<!tpu.dma_semaphore, #tpu.memory_space<semaphore_mem>>)
          %dma_wait3A_187 = tpu.memref_slice %arg5[%mul3A_4] : memref<163840xi32, #tpu.memory_space<hbm>> -> memref<64xi32, #tpu.memory_space<hbm>>
          %dma_wait3A_188 = tpu.memref_slice %arg5[%mul3A_4] : memref<163840xi32, #tpu.memory_space<hbm>> -> memref<64xi32, #tpu.memory_space<hbm>>
          tpu.wait_dma2 semaphore(%arg19 : memref<!tpu.dma_semaphore, #tpu.memory_space<semaphore_mem>>) src(%dma_wait3A_188 : memref<64xi32, #tpu.memory_space<hbm>>) dst(%arg11 : memref<64xi32, #tpu.memory_space<vmem>>)
          %dma_wait3A_189 = arith.constant 0 : i32
          %dma_wait3A_190 = arith.constant 0 : i32
          %dma_wait3A_191 = tpu.memref_slice %arg9[%dma_wait3A_189, %dma_wait3A_190] : memref<80x64xi32, #tpu.memory_space<vmem>> -> memref<1x64xi32, #tpu.memory_space<vmem>>
          %dma_wait3A_192 = tpu.memref_squeeze %dma_wait3A_191 : memref<1x64xi32, #tpu.memory_space<vmem>> -> memref<64xi32, #tpu.memory_space<vmem>>
          %dma_wait3A_193 = arith.constant 0 : i32
          %dma_wait3A_194 = arith.constant 0 : i32
          %dma_wait3A_195 = tpu.memref_slice %arg30[%dma_wait3A_193, %dma_wait3A_194] : memref<10240x128xf32, #tpu.memory_space<vmem_shared>> -> memref<10240x128xf32, #tpu.memory_space<vmem_shared>>
          tpu.wait_indirect_dma semaphore(%arg27 : memref<!tpu.dma_semaphore, #tpu.memory_space<semaphore_mem>>) src(%arg15 : memref<64x128xf32, #tpu.memory_space<vmem>>) dst(%dma_wait3A_195 : memref<10240x128xf32, #tpu.memory_space<vmem_shared>>)
          %dma_start3A_196 = arith.constant 0 : i32
          %dma_start3A_197 = arith.constant 0 : i32
          %dma_start3A_198 = tpu.memref_slice %arg3[%dma_start3A_196, %dma_start3A_197] : memref<10000x128xf32, #tpu.memory_space<hbm>> -> memref<10000x128xf32, #tpu.memory_space<hbm>>
          tpu.enqueue_indirect_dma source(%dma_start3A_198 : memref<10000x128xf32, #tpu.memory_space<hbm>>) target(%arg15 : memref<64x128xf32, #tpu.memory_space<vmem>>) offsets(%arg11 : memref<64xi32, #tpu.memory_space<vmem>>) semaphore(%arg23 : memref<!tpu.dma_semaphore, #tpu.memory_space<semaphore_mem>>)
          %dma_wait3A_199 = tpu.memref_slice %arg5[%mul3A_4] : memref<163840xi32, #tpu.memory_space<hbm>> -> memref<64xi32, #tpu.memory_space<hbm>>
          %dma_wait3A_200 = tpu.memref_slice %arg5[%mul3A_4] : memref<163840xi32, #tpu.memory_space<hbm>> -> memref<64xi32, #tpu.memory_space<hbm>>
          tpu.wait_dma2 semaphore(%arg20 : memref<!tpu.dma_semaphore, #tpu.memory_space<semaphore_mem>>) src(%dma_wait3A_200 : memref<64xi32, #tpu.memory_space<hbm>>) dst(%arg12 : memref<64xi32, #tpu.memory_space<vmem>>)
          %dma_wait3A_201 = arith.constant 0 : i32
          %dma_wait3A_202 = arith.constant 0 : i32
          %dma_wait3A_203 = tpu.memref_slice %arg9[%dma_wait3A_201, %dma_wait3A_202] : memref<80x64xi32, #tpu.memory_space<vmem>> -> memref<1x64xi32, #tpu.memory_space<vmem>>
          %dma_wait3A_204 = tpu.memref_squeeze %dma_wait3A_203 : memref<1x64xi32, #tpu.memory_space<vmem>> -> memref<64xi32, #tpu.memory_space<vmem>>
          %dma_wait3A_205 = arith.constant 0 : i32
          %dma_wait3A_206 = arith.constant 0 : i32
          %dma_wait3A_207 = tpu.memref_slice %arg30[%dma_wait3A_205, %dma_wait3A_206] : memref<10240x128xf32, #tpu.memory_space<vmem_shared>> -> memref<10240x128xf32, #tpu.memory_space<vmem_shared>>
          tpu.wait_indirect_dma semaphore(%arg28 : memref<!tpu.dma_semaphore, #tpu.memory_space<semaphore_mem>>) src(%arg16 : memref<64x128xf32, #tpu.memory_space<vmem>>) dst(%dma_wait3A_207 : memref<10240x128xf32, #tpu.memory_space<vmem_shared>>)
          %dma_start3A_208 = arith.constant 0 : i32
          %dma_start3A_209 = arith.constant 0 : i32
          %dma_start3A_210 = tpu.memref_slice %arg3[%dma_start3A_208, %dma_start3A_209] : memref<10000x128xf32, #tpu.memory_space<hbm>> -> memref<10000x128xf32, #tpu.memory_space<hbm>>
          tpu.enqueue_indirect_dma source(%dma_start3A_210 : memref<10000x128xf32, #tpu.memory_space<hbm>>) target(%arg16 : memref<64x128xf32, #tpu.memory_space<vmem>>) offsets(%arg12 : memref<64xi32, #tpu.memory_space<vmem>>) semaphore(%arg24 : memref<!tpu.dma_semaphore, #tpu.memory_space<semaphore_mem>>)
          %dma_wait3A_211 = tpu.memref_slice %arg5[%mul3A_4] : memref<163840xi32, #tpu.memory_space<hbm>> -> memref<64xi32, #tpu.memory_space<hbm>>
          %dma_wait3A_212 = tpu.memref_slice %arg5[%mul3A_4] : memref<163840xi32, #tpu.memory_space<hbm>> -> memref<64xi32, #tpu.memory_space<hbm>>
          tpu.wait_dma2 semaphore(%arg21 : memref<!tpu.dma_semaphore, #tpu.memory_space<semaphore_mem>>) src(%dma_wait3A_212 : memref<64xi32, #tpu.memory_space<hbm>>) dst(%arg13 : memref<64xi32, #tpu.memory_space<vmem>>)
          %dma_wait3A_213 = arith.constant 0 : i32
          %dma_wait3A_214 = arith.constant 0 : i32
          %dma_wait3A_215 = tpu.memref_slice %arg9[%dma_wait3A_213, %dma_wait3A_214] : memref<80x64xi32, #tpu.memory_space<vmem>> -> memref<1x64xi32, #tpu.memory_space<vmem>>
          %dma_wait3A_216 = tpu.memref_squeeze %dma_wait3A_215 : memref<1x64xi32, #tpu.memory_space<vmem>> -> memref<64xi32, #tpu.memory_space<vmem>>
          %dma_wait3A_217 = arith.constant 0 : i32
          %dma_wait3A_218 = arith.constant 0 : i32
          %dma_wait3A_219 = tpu.memref_slice %arg30[%dma_wait3A_217, %dma_wait3A_218] : memref<10240x128xf32, #tpu.memory_space<vmem_shared>> -> memref<10240x128xf32, #tpu.memory_space<vmem_shared>>
          tpu.wait_indirect_dma semaphore(%arg29 : memref<!tpu.dma_semaphore, #tpu.memory_space<semaphore_mem>>) src(%arg17 : memref<64x128xf32, #tpu.memory_space<vmem>>) dst(%dma_wait3A_219 : memref<10240x128xf32, #tpu.memory_space<vmem_shared>>)
          %dma_start3A_220 = arith.constant 0 : i32
          %dma_start3A_221 = arith.constant 0 : i32
          %dma_start3A_222 = tpu.memref_slice %arg3[%dma_start3A_220, %dma_start3A_221] : memref<10000x128xf32, #tpu.memory_space<hbm>> -> memref<10000x128xf32, #tpu.memory_space<hbm>>
          tpu.enqueue_indirect_dma source(%dma_start3A_222 : memref<10000x128xf32, #tpu.memory_space<hbm>>) target(%arg17 : memref<64x128xf32, #tpu.memory_space<vmem>>) offsets(%arg13 : memref<64xi32, #tpu.memory_space<vmem>>) semaphore(%arg25 : memref<!tpu.dma_semaphore, #tpu.memory_space<semaphore_mem>>)
        } else {
        }
      }
      %scan3A_59 = arith.constant 40 : i32
      %dma_wait3A_60 = arith.constant 0 : i32
      %dma_wait3A_61 = arith.constant 0 : i32
      %dma_wait3A_62 = tpu.memref_slice %arg9[%dma_wait3A_60, %dma_wait3A_61] : memref<80x64xi32, #tpu.memory_space<vmem>> -> memref<1x64xi32, #tpu.memory_space<vmem>>
      %dma_wait3A_63 = tpu.memref_squeeze %dma_wait3A_62 : memref<1x64xi32, #tpu.memory_space<vmem>> -> memref<64xi32, #tpu.memory_space<vmem>>
      %dma_wait3A_64 = arith.constant 0 : i32
      %dma_wait3A_65 = arith.constant 0 : i32
      %dma_wait3A_66 = tpu.memref_slice %arg30[%dma_wait3A_64, %dma_wait3A_65] : memref<10240x128xf32, #tpu.memory_space<vmem_shared>> -> memref<10240x128xf32, #tpu.memory_space<vmem_shared>>
      tpu.wait_indirect_dma semaphore(%arg26 : memref<!tpu.dma_semaphore, #tpu.memory_space<semaphore_mem>>) src(%arg14 : memref<64x128xf32, #tpu.memory_space<vmem>>) dst(%dma_wait3A_66 : memref<10240x128xf32, #tpu.memory_space<vmem_shared>>)
      %dma_wait3A_67 = arith.constant 0 : i32
      %dma_wait3A_68 = arith.constant 0 : i32
      %dma_wait3A_69 = tpu.memref_slice %arg9[%dma_wait3A_67, %dma_wait3A_68] : memref<80x64xi32, #tpu.memory_space<vmem>> -> memref<1x64xi32, #tpu.memory_space<vmem>>
      %dma_wait3A_70 = tpu.memref_squeeze %dma_wait3A_69 : memref<1x64xi32, #tpu.memory_space<vmem>> -> memref<64xi32, #tpu.memory_space<vmem>>
      %dma_wait3A_71 = arith.constant 0 : i32
      %dma_wait3A_72 = arith.constant 0 : i32
      %dma_wait3A_73 = tpu.memref_slice %arg30[%dma_wait3A_71, %dma_wait3A_72] : memref<10240x128xf32, #tpu.memory_space<vmem_shared>> -> memref<10240x128xf32, #tpu.memory_space<vmem_shared>>
      tpu.wait_indirect_dma semaphore(%arg27 : memref<!tpu.dma_semaphore, #tpu.memory_space<semaphore_mem>>) src(%arg15 : memref<64x128xf32, #tpu.memory_space<vmem>>) dst(%dma_wait3A_73 : memref<10240x128xf32, #tpu.memory_space<vmem_shared>>)
      %dma_wait3A_74 = arith.constant 0 : i32
      %dma_wait3A_75 = arith.constant 0 : i32
      %dma_wait3A_76 = tpu.memref_slice %arg9[%dma_wait3A_74, %dma_wait3A_75] : memref<80x64xi32, #tpu.memory_space<vmem>> -> memref<1x64xi32, #tpu.memory_space<vmem>>
      %dma_wait3A_77 = tpu.memref_squeeze %dma_wait3A_76 : memref<1x64xi32, #tpu.memory_space<vmem>> -> memref<64xi32, #tpu.memory_space<vmem>>
      %dma_wait3A_78 = arith.constant 0 : i32
      %dma_wait3A_79 = arith.constant 0 : i32
      %dma_wait3A_80 = tpu.memref_slice %arg30[%dma_wait3A_78, %dma_wait3A_79] : memref<10240x128xf32, #tpu.memory_space<vmem_shared>> -> memref<10240x128xf32, #tpu.memory_space<vmem_shared>>
      tpu.wait_indirect_dma semaphore(%arg28 : memref<!tpu.dma_semaphore, #tpu.memory_space<semaphore_mem>>) src(%arg16 : memref<64x128xf32, #tpu.memory_space<vmem>>) dst(%dma_wait3A_80 : memref<10240x128xf32, #tpu.memory_space<vmem_shared>>)
      %dma_wait3A_81 = arith.constant 0 : i32
      %dma_wait3A_82 = arith.constant 0 : i32
      %dma_wait3A_83 = tpu.memref_slice %arg9[%dma_wait3A_81, %dma_wait3A_82] : memref<80x64xi32, #tpu.memory_space<vmem>> -> memref<1x64xi32, #tpu.memory_space<vmem>>
      %dma_wait3A_84 = tpu.memref_squeeze %dma_wait3A_83 : memref<1x64xi32, #tpu.memory_space<vmem>> -> memref<64xi32, #tpu.memory_space<vmem>>
      %dma_wait3A_85 = arith.constant 0 : i32
      %dma_wait3A_86 = arith.constant 0 : i32
      %dma_wait3A_87 = tpu.memref_slice %arg30[%dma_wait3A_85, %dma_wait3A_86] : memref<10240x128xf32, #tpu.memory_space<vmem_shared>> -> memref<10240x128xf32, #tpu.memory_space<vmem_shared>>
      tpu.wait_indirect_dma semaphore(%arg29 : memref<!tpu.dma_semaphore, #tpu.memory_space<semaphore_mem>>) src(%arg17 : memref<64x128xf32, #tpu.memory_space<vmem>>) dst(%dma_wait3A_87 : memref<10240x128xf32, #tpu.memory_space<vmem_shared>>)
    } else {
    }
    %barrier3A_12 = arith.constant 0 : index
    tpu.barrier barrier_id(%barrier3A_12)
    %eq3A_13 = arith.constant 0 : i32
    %eq3A_14 = arith.cmpi eq, %arg0, %eq3A_13 : i32
    %convert_element_type3A_15 = arith.extui %eq3A_14 : i1 to i32
    %cond3A_16 = arith.constant 0 : i32
    %cond3A_17 = arith.cmpi ne, %convert_element_type3A_15, %cond3A_16 : i32
    scf.if %cond3A_17 {
      %mul3A_23 = arith.constant 640 : i32
      %mul3A_24 = arith.muli %arg1, %mul3A_23 : i32
      %mul3A_25 = arith.constant 640 : i32
      %mul3A_26 = arith.muli %arg1, %mul3A_25 : i32
      "tpu.region"() ({
        %run_scoped3A = tpu.sem_alloc : memref<!tpu.dma_semaphore, #tpu.memory_space<semaphore_mem>>
        %dma_start3A = arith.constant 0 : i32
        %dma_start3A_27 = tpu.memref_slice %arg7[%mul3A_26, %dma_start3A] : memref<10240x128xf32, #tpu.memory_space<hbm>> -> memref<640x128xf32, #tpu.memory_space<hbm>>
        %dma_start3A_28 = arith.constant 0 : i32
        %dma_start3A_29 = tpu.memref_slice %arg30[%mul3A_24, %dma_start3A_28] : memref<10240x128xf32, #tpu.memory_space<vmem_shared>> -> memref<640x128xf32, #tpu.memory_space<vmem_shared>>
        tpu.enqueue_dma source(%dma_start3A_29 : memref<640x128xf32, #tpu.memory_space<vmem_shared>>) target(%dma_start3A_27 : memref<640x128xf32, #tpu.memory_space<hbm>>) target_semaphore(%run_scoped3A : memref<!tpu.dma_semaphore, #tpu.memory_space<semaphore_mem>>)
        %dma_wait3A = arith.constant 0 : i32
        %dma_wait3A_30 = tpu.memref_slice %arg7[%mul3A_26, %dma_wait3A] : memref<10240x128xf32, #tpu.memory_space<hbm>> -> memref<640x128xf32, #tpu.memory_space<hbm>>
        %dma_wait3A_31 = arith.constant 0 : i32
        %dma_wait3A_32 = tpu.memref_slice %arg30[%mul3A_24, %dma_wait3A_31] : memref<10240x128xf32, #tpu.memory_space<vmem_shared>> -> memref<640x128xf32, #tpu.memory_space<vmem_shared>>
        tpu.wait_dma2 semaphore(%run_scoped3A : memref<!tpu.dma_semaphore, #tpu.memory_space<semaphore_mem>>) src(%dma_wait3A_32 : memref<640x128xf32, #tpu.memory_space<vmem_shared>>) dst(%dma_wait3A_30 : memref<640x128xf32, #tpu.memory_space<hbm>>)
        tpu.yield
      }) : () -> ()
    } else {
    }
    %eq3A_18 = arith.constant 1 : i32
    %eq3A_19 = arith.cmpi eq, %arg0, %eq3A_18 : i32
    %convert_element_type3A_20 = arith.extui %eq3A_19 : i1 to i32
    %cond3A_21 = arith.constant 0 : i32
    %cond3A_22 = arith.cmpi ne, %convert_element_type3A_20, %cond3A_21 : i32
    scf.if %cond3A_22 {
      %mul3A_23 = arith.constant 640 : i32
      %mul3A_24 = arith.muli %arg1, %mul3A_23 : i32
      %mul3A_25 = arith.constant 640 : i32
      %mul3A_26 = arith.muli %arg1, %mul3A_25 : i32
      "tpu.region"() ({
        %run_scoped3A = tpu.sem_alloc : memref<!tpu.dma_semaphore, #tpu.memory_space<semaphore_mem>>
        %dma_start3A = arith.constant 0 : i32
        %dma_start3A_27 = tpu.memref_slice %arg8[%mul3A_26, %dma_start3A] : memref<10240x128xf32, #tpu.memory_space<hbm>> -> memref<640x128xf32, #tpu.memory_space<hbm>>
        %dma_start3A_28 = arith.constant 0 : i32
        %dma_start3A_29 = tpu.memref_slice %arg30[%mul3A_24, %dma_start3A_28] : memref<10240x128xf32, #tpu.memory_space<vmem_shared>> -> memref<640x128xf32, #tpu.memory_space<vmem_shared>>
        tpu.enqueue_dma source(%dma_start3A_29 : memref<640x128xf32, #tpu.memory_space<vmem_shared>>) target(%dma_start3A_27 : memref<640x128xf32, #tpu.memory_space<hbm>>) target_semaphore(%run_scoped3A : memref<!tpu.dma_semaphore, #tpu.memory_space<semaphore_mem>>)
        %dma_wait3A = arith.constant 0 : i32
        %dma_wait3A_30 = tpu.memref_slice %arg8[%mul3A_26, %dma_wait3A] : memref<10240x128xf32, #tpu.memory_space<hbm>> -> memref<640x128xf32, #tpu.memory_space<hbm>>
        %dma_wait3A_31 = arith.constant 0 : i32
        %dma_wait3A_32 = tpu.memref_slice %arg30[%mul3A_24, %dma_wait3A_31] : memref<10240x128xf32, #tpu.memory_space<vmem_shared>> -> memref<640x128xf32, #tpu.memory_space<vmem_shared>>
        tpu.wait_dma2 semaphore(%run_scoped3A : memref<!tpu.dma_semaphore, #tpu.memory_space<semaphore_mem>>) src(%dma_wait3A_32 : memref<640x128xf32, #tpu.memory_space<vmem_shared>>) dst(%dma_wait3A_30 : memref<640x128xf32, #tpu.memory_space<hbm>>)
        tpu.yield
      }) : () -> ()
    } else {
    }
    return
  }
}

#map = affine_map<(d0, d1) -> (0, 0)>
module attributes {stable_mosaic.version = 14 : i64} {
  func.func @k(%arg0: i32, %arg1: i32, %arg2: memref<2560x64xi32, #tpu.memory_space<hbm>>, %arg3: memref<640x128xf32, #tpu.memory_space<hbm>>, %arg4: memref<8x128xf32, #tpu.memory_space<hbm>>, %arg5: memref<10240x128xf32, #tpu.memory_space<hbm>>, %arg6: memref<10240x128xf32, #tpu.memory_space<hbm>>, %arg7: memref<80x64xi32, #tpu.memory_space<vmem>>, %arg8: memref<64x128xf32, #tpu.memory_space<vmem>>, %arg9: memref<!tpu.dma_semaphore, #tpu.memory_space<semaphore_mem>>, %arg10: memref<10240x128xf32, #tpu.memory_space<vmem_shared>>) attributes {dimension_semantics = [#tpu.dimension_semantics<core_parallel>, #tpu.dimension_semantics<subcore_parallel>], iteration_bounds = array<i64: 2, 16>, scalar_prefetch = 0 : i64, scratch_operands = 4 : i64, tpu.core_type = #tpu.core_type<sc_vector_subcore>, window_params = [{transform_indices = #map}, {transform_indices = #map}, {transform_indices = #map}, {transform_indices = #map}, {transform_indices = #map}]} {
    %broadcast_in_dim3A = arith.constant 0.000000e+00 : f32
    %broadcast_in_dim3A_0 = vector.broadcast %broadcast_in_dim3A : f32 to vector<16xf32>
    %iota3A = tpu.iota {dimensions = array<i32: 0>} : vector<16xi32>
    %eq3A = arith.constant 0 : i32
    %eq3A_1 = vector.broadcast %eq3A : i32 to vector<16xi32>
    %eq3A_2 = arith.cmpi eq, %iota3A, %eq3A_1 : vector<16xi32>
    %jit3A = arith.constant 1.000000e+00 : f32
    %jit3A_3 = arith.constant 0.000000e+00 : f32
    %broadcast_in_dim3A_4 = vector.broadcast %jit3A : f32 to vector<16xf32>
    %broadcast_in_dim3A_5 = vector.broadcast %jit3A_3 : f32 to vector<16xf32>
    %select_n3A = arith.select %eq3A_2, %broadcast_in_dim3A_4, %broadcast_in_dim3A_5 : vector<16xi1>, vector<16xf32>
    %scan3A = arith.constant 0 : i32
    %scan3A_6 = arith.constant 64 : i32
    %scan3A_7 = arith.addi %scan3A, %scan3A_6 : i32
    %scan3A_8 = arith.constant 1 : i32
    scf.for %scan3A_34 = %scan3A to %scan3A_7 step %scan3A_8  : i32 {
      %mul3A_35 = arith.constant 1 : i32
      %mul3A_36 = arith.muli %scan3A_34, %mul3A_35 : i32
      %add3A_37 = arith.constant 0 : i32
      %add3A_38 = arith.addi %add3A_37, %mul3A_36 : i32
      %swap3A = arith.index_cast %add3A_38 : i32 to index
      %swap3A_39 = arith.constant 0 : index
      %swap3A_40 = tpu.vector_load %arg8[%swap3A, %swap3A_39] {strides = array<i32>} : memref<64x128xf32, #tpu.memory_space<vmem>>, vector<1x16xf32>,
      %swap3A_41 = vector.shape_cast %swap3A_40 : vector<1x16xf32> to vector<16xf32>
      %swap3A_42 = vector.shape_cast %select_n3A : vector<16xf32> to vector<1x16xf32>
      tpu.vector_store %arg8[%swap3A, %swap3A_39], %swap3A_42 {strides = array<i32>} : memref<64x128xf32, #tpu.memory_space<vmem>>, vector<1x16xf32>,
      %scan3A_43 = arith.constant 0 : i32
      %scan3A_44 = arith.constant 7 : i32
      %scan3A_45 = arith.addi %scan3A_43, %scan3A_44 : i32
      %scan3A_46 = arith.constant 1 : i32
      scf.for %scan3A_48 = %scan3A_43 to %scan3A_45 step %scan3A_46  : i32 {
        %mul3A_49 = arith.constant 1 : i32
        %mul3A_50 = arith.muli %scan3A_48, %mul3A_49 : i32
        %add3A_51 = arith.constant 1 : i32
        %add3A_52 = arith.addi %add3A_51, %mul3A_50 : i32
        %mul3A_53 = arith.constant 16 : i32
        %mul3A_54 = arith.muli %add3A_52, %mul3A_53 : i32
        %swap3A_55 = arith.index_cast %add3A_38 : i32 to index
        %swap3A_56 = arith.index_cast %mul3A_54 : i32 to index
        %swap3A_57 = tpu.vector_load %arg8[%swap3A_55, %swap3A_56] {strides = array<i32>} : memref<64x128xf32, #tpu.memory_space<vmem>>, vector<1x16xf32>,
        %swap3A_58 = vector.shape_cast %swap3A_57 : vector<1x16xf32> to vector<16xf32>
        %swap3A_59 = vector.shape_cast %broadcast_in_dim3A_0 : vector<16xf32> to vector<1x16xf32>
        tpu.vector_store %arg8[%swap3A_55, %swap3A_56], %swap3A_59 {strides = array<i32>} : memref<64x128xf32, #tpu.memory_space<vmem>>, vector<1x16xf32>,
      }
      %scan3A_47 = arith.constant 7 : i32
    }
    %scan3A_9 = arith.constant 64 : i32
    %mul3A = arith.constant 640 : i32
    %mul3A_10 = arith.muli %arg1, %mul3A : i32
    "tpu.region"() ({
      %run_scoped3A = tpu.sem_alloc : memref<!tpu.dma_semaphore, #tpu.memory_space<semaphore_mem>>
      %dma_start3A = arith.constant 0 : i32
      %dma_start3A_34 = tpu.memref_slice %arg10[%mul3A_10, %dma_start3A] : memref<10240x128xf32, #tpu.memory_space<vmem_shared>> -> memref<640x128xf32, #tpu.memory_space<vmem_shared>>
      tpu.enqueue_dma source(%arg3 : memref<640x128xf32, #tpu.memory_space<hbm>>) target(%dma_start3A_34 : memref<640x128xf32, #tpu.memory_space<vmem_shared>>) target_semaphore(%run_scoped3A : memref<!tpu.dma_semaphore, #tpu.memory_space<semaphore_mem>>)
      %dma_wait3A = arith.constant 0 : i32
      %dma_wait3A_35 = tpu.memref_slice %arg10[%mul3A_10, %dma_wait3A] : memref<10240x128xf32, #tpu.memory_space<vmem_shared>> -> memref<640x128xf32, #tpu.memory_space<vmem_shared>>
      tpu.wait_dma2 semaphore(%run_scoped3A : memref<!tpu.dma_semaphore, #tpu.memory_space<semaphore_mem>>) src(%arg3 : memref<640x128xf32, #tpu.memory_space<hbm>>) dst(%dma_wait3A_35 : memref<640x128xf32, #tpu.memory_space<vmem_shared>>)
      tpu.yield
    }) : () -> ()
    %mul3A_11 = arith.constant 16 : i32
    %mul3A_12 = arith.muli %arg0, %mul3A_11 : i32
    %add3A = arith.addi %mul3A_12, %arg1 : i32
    %mul3A_13 = arith.constant 80 : i32
    %mul3A_14 = arith.muli %add3A, %mul3A_13 : i32
    "tpu.region"() ({
      %run_scoped3A = tpu.sem_alloc : memref<!tpu.dma_semaphore, #tpu.memory_space<semaphore_mem>>
      %dma_start3A = arith.constant 0 : i32
      %dma_start3A_34 = tpu.memref_slice %arg2[%mul3A_14, %dma_start3A] : memref<2560x64xi32, #tpu.memory_space<hbm>> -> memref<80x64xi32, #tpu.memory_space<hbm>>
      %dma_start3A_35 = arith.constant 0 : i32
      %dma_start3A_36 = tpu.memref_slice %arg2[%mul3A_14, %dma_start3A_35] : memref<2560x64xi32, #tpu.memory_space<hbm>> -> memref<80x64xi32, #tpu.memory_space<hbm>>
      tpu.enqueue_dma source(%dma_start3A_36 : memref<80x64xi32, #tpu.memory_space<hbm>>) target(%arg7 : memref<80x64xi32, #tpu.memory_space<vmem>>) target_semaphore(%run_scoped3A : memref<!tpu.dma_semaphore, #tpu.memory_space<semaphore_mem>>)
      %dma_wait3A = arith.constant 0 : i32
      %dma_wait3A_37 = tpu.memref_slice %arg2[%mul3A_14, %dma_wait3A] : memref<2560x64xi32, #tpu.memory_space<hbm>> -> memref<80x64xi32, #tpu.memory_space<hbm>>
      %dma_wait3A_38 = arith.constant 0 : i32
      %dma_wait3A_39 = tpu.memref_slice %arg2[%mul3A_14, %dma_wait3A_38] : memref<2560x64xi32, #tpu.memory_space<hbm>> -> memref<80x64xi32, #tpu.memory_space<hbm>>
      tpu.wait_dma2 semaphore(%run_scoped3A : memref<!tpu.dma_semaphore, #tpu.memory_space<semaphore_mem>>) src(%dma_wait3A_39 : memref<80x64xi32, #tpu.memory_space<hbm>>) dst(%arg7 : memref<80x64xi32, #tpu.memory_space<vmem>>)
      tpu.yield
    }) : () -> ()
    %barrier3A = arith.constant 0 : index
    tpu.barrier barrier_id(%barrier3A)
    %scan3A_15 = arith.constant 0 : i32
    %scan3A_16 = arith.constant 80 : i32
    %scan3A_17 = arith.addi %scan3A_15, %scan3A_16 : i32
    %scan3A_18 = arith.constant 1 : i32
    scf.for %scan3A_34 = %scan3A_15 to %scan3A_17 step %scan3A_18  : i32 {
      %mul3A_35 = arith.constant 1 : i32
      %mul3A_36 = arith.muli %scan3A_34, %mul3A_35 : i32
      %add3A_37 = arith.constant 0 : i32
      %add3A_38 = arith.addi %add3A_37, %mul3A_36 : i32
      %dma_start3A = arith.constant 0 : i32
      %dma_start3A_39 = tpu.memref_slice %arg7[%add3A_38, %dma_start3A] : memref<80x64xi32, #tpu.memory_space<vmem>> -> memref<1x64xi32, #tpu.memory_space<vmem>>
      %dma_start3A_40 = tpu.memref_squeeze %dma_start3A_39 : memref<1x64xi32, #tpu.memory_space<vmem>> -> memref<64xi32, #tpu.memory_space<vmem>>
      %dma_start3A_41 = arith.constant 0 : i32
      %dma_start3A_42 = arith.constant 0 : i32
      %dma_start3A_43 = tpu.memref_slice %arg10[%dma_start3A_41, %dma_start3A_42] : memref<10240x128xf32, #tpu.memory_space<vmem_shared>> -> memref<10240x128xf32, #tpu.memory_space<vmem_shared>>
      tpu.enqueue_indirect_dma source(%arg8 : memref<64x128xf32, #tpu.memory_space<vmem>>) target(%dma_start3A_43 : memref<10240x128xf32, #tpu.memory_space<vmem_shared>>) offsets(%dma_start3A_40 : memref<64xi32, #tpu.memory_space<vmem>>) semaphore(%arg9 : memref<!tpu.dma_semaphore, #tpu.memory_space<semaphore_mem>>) {add = true}
    }
    %scan3A_19 = arith.constant 80 : i32
    %scan3A_20 = arith.constant 0 : i32
    %scan3A_21 = arith.constant 80 : i32
    %scan3A_22 = arith.addi %scan3A_20, %scan3A_21 : i32
    %scan3A_23 = arith.constant 1 : i32
    scf.for %scan3A_34 = %scan3A_20 to %scan3A_22 step %scan3A_23  : i32 {
      %mul3A_35 = arith.constant 1 : i32
      %mul3A_36 = arith.muli %scan3A_34, %mul3A_35 : i32
      %add3A_37 = arith.constant 0 : i32
      %add3A_38 = arith.addi %add3A_37, %mul3A_36 : i32
      %dma_wait3A = arith.constant 0 : i32
      %dma_wait3A_39 = arith.constant 0 : i32
      %dma_wait3A_40 = tpu.memref_slice %arg7[%dma_wait3A, %dma_wait3A_39] : memref<80x64xi32, #tpu.memory_space<vmem>> -> memref<1x64xi32, #tpu.memory_space<vmem>>
      %dma_wait3A_41 = tpu.memref_squeeze %dma_wait3A_40 : memref<1x64xi32, #tpu.memory_space<vmem>> -> memref<64xi32, #tpu.memory_space<vmem>>
      %dma_wait3A_42 = arith.constant 0 : i32
      %dma_wait3A_43 = arith.constant 0 : i32
      %dma_wait3A_44 = tpu.memref_slice %arg10[%dma_wait3A_42, %dma_wait3A_43] : memref<10240x128xf32, #tpu.memory_space<vmem_shared>> -> memref<10240x128xf32, #tpu.memory_space<vmem_shared>>
      tpu.wait_indirect_dma semaphore(%arg9 : memref<!tpu.dma_semaphore, #tpu.memory_space<semaphore_mem>>) src(%arg8 : memref<64x128xf32, #tpu.memory_space<vmem>>) dst(%dma_wait3A_44 : memref<10240x128xf32, #tpu.memory_space<vmem_shared>>)
    }
    %scan3A_24 = arith.constant 80 : i32
    %barrier3A_25 = arith.constant 0 : index
    tpu.barrier barrier_id(%barrier3A_25)
    %eq3A_26 = arith.constant 0 : i32
    %eq3A_27 = arith.cmpi eq, %arg0, %eq3A_26 : i32
    %convert_element_type3A = arith.extui %eq3A_27 : i1 to i32
    %cond3A = arith.constant 0 : i32
    %cond3A_28 = arith.cmpi ne, %convert_element_type3A, %cond3A : i32
    scf.if %cond3A_28 {
      %mul3A_34 = arith.constant 640 : i32
      %mul3A_35 = arith.muli %arg1, %mul3A_34 : i32
      %mul3A_36 = arith.constant 640 : i32
      %mul3A_37 = arith.muli %arg1, %mul3A_36 : i32
      "tpu.region"() ({
        %run_scoped3A = tpu.sem_alloc : memref<!tpu.dma_semaphore, #tpu.memory_space<semaphore_mem>>
        %dma_start3A = arith.constant 0 : i32
        %dma_start3A_38 = tpu.memref_slice %arg5[%mul3A_37, %dma_start3A] : memref<10240x128xf32, #tpu.memory_space<hbm>> -> memref<640x128xf32, #tpu.memory_space<hbm>>
        %dma_start3A_39 = arith.constant 0 : i32
        %dma_start3A_40 = tpu.memref_slice %arg10[%mul3A_35, %dma_start3A_39] : memref<10240x128xf32, #tpu.memory_space<vmem_shared>> -> memref<640x128xf32, #tpu.memory_space<vmem_shared>>
        tpu.enqueue_dma source(%dma_start3A_40 : memref<640x128xf32, #tpu.memory_space<vmem_shared>>) target(%dma_start3A_38 : memref<640x128xf32, #tpu.memory_space<hbm>>) target_semaphore(%run_scoped3A : memref<!tpu.dma_semaphore, #tpu.memory_space<semaphore_mem>>)
        %dma_wait3A = arith.constant 0 : i32
        %dma_wait3A_41 = tpu.memref_slice %arg5[%mul3A_37, %dma_wait3A] : memref<10240x128xf32, #tpu.memory_space<hbm>> -> memref<640x128xf32, #tpu.memory_space<hbm>>
        %dma_wait3A_42 = arith.constant 0 : i32
        %dma_wait3A_43 = tpu.memref_slice %arg10[%mul3A_35, %dma_wait3A_42] : memref<10240x128xf32, #tpu.memory_space<vmem_shared>> -> memref<640x128xf32, #tpu.memory_space<vmem_shared>>
        tpu.wait_dma2 semaphore(%run_scoped3A : memref<!tpu.dma_semaphore, #tpu.memory_space<semaphore_mem>>) src(%dma_wait3A_43 : memref<640x128xf32, #tpu.memory_space<vmem_shared>>) dst(%dma_wait3A_41 : memref<640x128xf32, #tpu.memory_space<hbm>>)
        tpu.yield
      }) : () -> ()
    } else {
    }
    %eq3A_29 = arith.constant 1 : i32
    %eq3A_30 = arith.cmpi eq, %arg0, %eq3A_29 : i32
    %convert_element_type3A_31 = arith.extui %eq3A_30 : i1 to i32
    %cond3A_32 = arith.constant 0 : i32
    %cond3A_33 = arith.cmpi ne, %convert_element_type3A_31, %cond3A_32 : i32
    scf.if %cond3A_33 {
      %mul3A_34 = arith.constant 640 : i32
      %mul3A_35 = arith.muli %arg1, %mul3A_34 : i32
      %mul3A_36 = arith.constant 640 : i32
      %mul3A_37 = arith.muli %arg1, %mul3A_36 : i32
      "tpu.region"() ({
        %run_scoped3A = tpu.sem_alloc : memref<!tpu.dma_semaphore, #tpu.memory_space<semaphore_mem>>
        %dma_start3A = arith.constant 0 : i32
        %dma_start3A_38 = tpu.memref_slice %arg6[%mul3A_37, %dma_start3A] : memref<10240x128xf32, #tpu.memory_space<hbm>> -> memref<640x128xf32, #tpu.memory_space<hbm>>
        %dma_start3A_39 = arith.constant 0 : i32
        %dma_start3A_40 = tpu.memref_slice %arg10[%mul3A_35, %dma_start3A_39] : memref<10240x128xf32, #tpu.memory_space<vmem_shared>> -> memref<640x128xf32, #tpu.memory_space<vmem_shared>>
        tpu.enqueue_dma source(%dma_start3A_40 : memref<640x128xf32, #tpu.memory_space<vmem_shared>>) target(%dma_start3A_38 : memref<640x128xf32, #tpu.memory_space<hbm>>) target_semaphore(%run_scoped3A : memref<!tpu.dma_semaphore, #tpu.memory_space<semaphore_mem>>)
        %dma_wait3A = arith.constant 0 : i32
        %dma_wait3A_41 = tpu.memref_slice %arg6[%mul3A_37, %dma_wait3A] : memref<10240x128xf32, #tpu.memory_space<hbm>> -> memref<640x128xf32, #tpu.memory_space<hbm>>
        %dma_wait3A_42 = arith.constant 0 : i32
        %dma_wait3A_43 = tpu.memref_slice %arg10[%mul3A_35, %dma_wait3A_42] : memref<10240x128xf32, #tpu.memory_space<vmem_shared>> -> memref<640x128xf32, #tpu.memory_space<vmem_shared>>
        tpu.wait_dma2 semaphore(%run_scoped3A : memref<!tpu.dma_semaphore, #tpu.memory_space<semaphore_mem>>) src(%dma_wait3A_43 : memref<640x128xf32, #tpu.memory_space<vmem_shared>>) dst(%dma_wait3A_41 : memref<640x128xf32, #tpu.memory_space<hbm>>)
        tpu.yield
      }) : () -> ()
    } else {
    }
    return
  }
}

module attributes {stable_mosaic.version = 14 : i64} {
  func.func @_tc_xw_body(%arg0: i32, %arg1: memref<1000x256xf32, #tpu.memory_space<vmem>>, %arg2: memref<256x256xf32, #tpu.memory_space<vmem>>, %arg3: memref<256x256xf32, #tpu.memory_space<vmem>>, %arg4: memref<1x256xf32, #tpu.memory_space<vmem>>, %arg5: memref<1x256xf32, #tpu.memory_space<vmem>>, %arg6: memref<1000x256xf32, #tpu.memory_space<vmem>>, %arg7: memref<1000x256xf32, #tpu.memory_space<vmem>>) attributes {dimension_semantics = [#tpu.dimension_semantics<arbitrary>], iteration_bounds = array<i64: 10>, scalar_prefetch = 0 : i64, scratch_operands = 0 : i64, tpu.core_type = #tpu.core_type<tc>, window_params = [{transform_indices = @transform_0, window_bounds = array<i64: 1000, 256>}, {pipeline_mode = #tpu.pipeline_mode<synchronous>, transform_indices = @transform_1, window_bounds = array<i64: 256, 256>}, {pipeline_mode = #tpu.pipeline_mode<synchronous>, transform_indices = @transform_2, window_bounds = array<i64: 256, 256>}, {pipeline_mode = #tpu.pipeline_mode<synchronous>, transform_indices = @transform_3, window_bounds = array<i64: 1, 256>}, {pipeline_mode = #tpu.pipeline_mode<synchronous>, transform_indices = @transform_4, window_bounds = array<i64: 1, 256>}, {transform_indices = @transform_5, window_bounds = array<i64: 1000, 256>}, {transform_indices = @transform_6, window_bounds = array<i64: 1000, 256>}]} {
    %get3A = arith.constant 0 : index
    %get3A_0 = arith.constant 0 : index
    %get3A_1 = vector.load %arg1[%get3A, %get3A_0] : memref<1000x256xf32, #tpu.memory_space<vmem>>, vector<1000x256xf32>
    %get3A_2 = arith.constant 0 : index
    %get3A_3 = arith.constant 0 : index
    %get3A_4 = vector.load %arg2[%get3A_2, %get3A_3] : memref<256x256xf32, #tpu.memory_space<vmem>>, vector<256x256xf32>
    %dot_general3A = arith.constant dense<0.000000e+00> : vector<1000x256xf32>
    %dot_general3A_5 = tpu.matmul %get3A_1, %get3A_4, %dot_general3A {dimension_numbers = #tpu.dot_dimension_numbers<[1], [0], [0], [1], [0, 0, 1, 1], [], []>, precision = #tpu.contract_precision<fp32>, transpose_lhs_hint = false} : vector<1000x256xf32>, vector<256x256xf32>, vector<1000x256xf32> -> vector<1000x256xf32>
    %get3A_6 = arith.constant 0 : index
    %get3A_7 = arith.constant 0 : index
    %get3A_8 = vector.load %arg4[%get3A_6, %get3A_7] : memref<1x256xf32, #tpu.memory_space<vmem>>, vector<1x256xf32>
    %add3A = vector.broadcast %get3A_8 : vector<1x256xf32> to vector<1000x256xf32>
    %add3A_9 = arith.addf %dot_general3A_5, %add3A : vector<1000x256xf32>
    %swap3A = arith.constant 0 : index
    %swap3A_10 = arith.constant 0 : index
    %swap3A_11 = vector.load %arg6[%swap3A, %swap3A_10] : memref<1000x256xf32, #tpu.memory_space<vmem>>, vector<1000x256xf32>
    tpu.vector_store %arg6[%swap3A, %swap3A_10], %add3A_9 {strides = array<i32>} : memref<1000x256xf32, #tpu.memory_space<vmem>>, vector<1000x256xf32>,
    %get3A_12 = arith.constant 0 : index
    %get3A_13 = arith.constant 0 : index
    %get3A_14 = vector.load %arg3[%get3A_12, %get3A_13] : memref<256x256xf32, #tpu.memory_space<vmem>>, vector<256x256xf32>
    %dot_general3A_15 = arith.constant dense<0.000000e+00> : vector<1000x256xf32>
    %dot_general3A_16 = tpu.matmul %get3A_1, %get3A_14, %dot_general3A_15 {dimension_numbers = #tpu.dot_dimension_numbers<[1], [0], [0], [1], [0, 0, 1, 1], [], []>, precision = #tpu.contract_precision<fp32>, transpose_lhs_hint = false} : vector<1000x256xf32>, vector<256x256xf32>, vector<1000x256xf32> -> vector<1000x256xf32>
    %get3A_17 = arith.constant 0 : index
    %get3A_18 = arith.constant 0 : index
    %get3A_19 = vector.load %arg5[%get3A_17, %get3A_18] : memref<1x256xf32, #tpu.memory_space<vmem>>, vector<1x256xf32>
    %add3A_20 = vector.broadcast %get3A_19 : vector<1x256xf32> to vector<1000x256xf32>
    %add3A_21 = arith.addf %dot_general3A_16, %add3A_20 : vector<1000x256xf32>
    %swap3A_22 = arith.constant 0 : index
    %swap3A_23 = arith.constant 0 : index
    %swap3A_24 = vector.load %arg7[%swap3A_22, %swap3A_23] : memref<1000x256xf32, #tpu.memory_space<vmem>>, vector<1000x256xf32>
    tpu.vector_store %arg7[%swap3A_22, %swap3A_23], %add3A_21 {strides = array<i32>} : memref<1000x256xf32, #tpu.memory_space<vmem>>, vector<1000x256xf32>,
    return
  }
  func.func @transform_0(%arg0: i32) -> (i32, i32) {
    %c0_i32 = arith.constant 0 : i32
    %c0_i32_0 = arith.constant 0 : i32
    return %arg0, %c0_i32 : i32, i32
  }
  func.func @transform_1(%arg0: i32) -> (i32, i32) {
    %c0_i32 = arith.constant 0 : i32
    %c0_i32_0 = arith.constant 0 : i32
    %c0_i32_1 = arith.constant 0 : i32
    return %c0_i32, %c0_i32_0 : i32, i32
  }
  func.func @transform_2(%arg0: i32) -> (i32, i32) {
    %c0_i32 = arith.constant 0 : i32
    %c0_i32_0 = arith.constant 0 : i32
    %c0_i32_1 = arith.constant 0 : i32
    return %c0_i32, %c0_i32_0 : i32, i32
  }
  func.func @transform_3(%arg0: i32) -> (i32, i32) {
    %c0_i32 = arith.constant 0 : i32
    %c0_i32_0 = arith.constant 0 : i32
    %c0_i32_1 = arith.constant 0 : i32
    return %c0_i32, %c0_i32_0 : i32, i32
  }
  func.func @transform_4(%arg0: i32) -> (i32, i32) {
    %c0_i32 = arith.constant 0 : i32
    %c0_i32_0 = arith.constant 0 : i32
    %c0_i32_1 = arith.constant 0 : i32
    return %c0_i32, %c0_i32_0 : i32, i32
  }
  func.func @transform_5(%arg0: i32) -> (i32, i32) {
    %c0_i32 = arith.constant 0 : i32
    %c0_i32_0 = arith.constant 0 : i32
    return %arg0, %c0_i32 : i32, i32
  }
  func.func @transform_6(%arg0: i32) -> (i32, i32) {
    %c0_i32 = arith.constant 0 : i32
    %c0_i32_0 = arith.constant 0 : i32
    return %arg0, %c0_i32 : i32, i32
  }
}

module attributes {stable_mosaic.version = 14 : i64} {
  func.func @_tc_body(%arg0: i32, %arg1: memref<1000x256xf32, #tpu.memory_space<vmem>>, %arg2: memref<1000x256xf32, #tpu.memory_space<vmem>>, %arg3: memref<1000x128xf32, #tpu.memory_space<vmem>>, %arg4: memref<1000x128xf32, #tpu.memory_space<vmem>>, %arg5: memref<1000x128xf32, #tpu.memory_space<vmem>>, %arg6: memref<1000x128xf32, #tpu.memory_space<vmem>>, %arg7: memref<128x256xf32, #tpu.memory_space<vmem>>, %arg8: memref<128x256xf32, #tpu.memory_space<vmem>>, %arg9: memref<1000x256xf32, #tpu.memory_space<vmem>>) attributes {dimension_semantics = [#tpu.dimension_semantics<arbitrary>], iteration_bounds = array<i64: 10>, scalar_prefetch = 0 : i64, scratch_operands = 0 : i64, tpu.core_type = #tpu.core_type<tc>, window_params = [{transform_indices = @transform_0, window_bounds = array<i64: 1000, 256>}, {transform_indices = @transform_1, window_bounds = array<i64: 1000, 256>}, {transform_indices = @transform_2, window_bounds = array<i64: 1000, 128>}, {transform_indices = @transform_3, window_bounds = array<i64: 1000, 128>}, {transform_indices = @transform_4, window_bounds = array<i64: 1000, 128>}, {transform_indices = @transform_5, window_bounds = array<i64: 1000, 128>}, {pipeline_mode = #tpu.pipeline_mode<synchronous>, transform_indices = @transform_6, window_bounds = array<i64: 128, 256>}, {pipeline_mode = #tpu.pipeline_mode<synchronous>, transform_indices = @transform_7, window_bounds = array<i64: 128, 256>}, {transform_indices = @transform_8, window_bounds = array<i64: 1000, 256>}]} {
    %get3A = arith.constant 0 : index
    %get3A_0 = arith.constant 0 : index
    %get3A_1 = vector.load %arg3[%get3A, %get3A_0] : memref<1000x128xf32, #tpu.memory_space<vmem>>, vector<1000x128xf32>
    %get3A_2 = arith.constant 0 : index
    %get3A_3 = arith.constant 0 : index
    %get3A_4 = vector.load %arg7[%get3A_2, %get3A_3] : memref<128x256xf32, #tpu.memory_space<vmem>>, vector<128x256xf32>
    %dot_general3A = arith.constant dense<0.000000e+00> : vector<1000x256xf32>
    %dot_general3A_5 = tpu.matmul %get3A_1, %get3A_4, %dot_general3A {dimension_numbers = #tpu.dot_dimension_numbers<[1], [0], [0], [1], [0, 0, 1, 1], [], []>, precision = #tpu.contract_precision<fp32>, transpose_lhs_hint = false} : vector<1000x128xf32>, vector<128x256xf32>, vector<1000x256xf32> -> vector<1000x256xf32>
    %get3A_6 = arith.constant 0 : index
    %get3A_7 = arith.constant 0 : index
    %get3A_8 = vector.load %arg4[%get3A_6, %get3A_7] : memref<1000x128xf32, #tpu.memory_space<vmem>>, vector<1000x128xf32>
    %get3A_9 = arith.constant 0 : index
    %get3A_10 = arith.constant 0 : index
    %get3A_11 = vector.load %arg8[%get3A_9, %get3A_10] : memref<128x256xf32, #tpu.memory_space<vmem>>, vector<128x256xf32>
    %dot_general3A_12 = arith.constant dense<0.000000e+00> : vector<1000x256xf32>
    %dot_general3A_13 = tpu.matmul %get3A_8, %get3A_11, %dot_general3A_12 {dimension_numbers = #tpu.dot_dimension_numbers<[1], [0], [0], [1], [0, 0, 1, 1], [], []>, precision = #tpu.contract_precision<fp32>, transpose_lhs_hint = false} : vector<1000x128xf32>, vector<128x256xf32>, vector<1000x256xf32> -> vector<1000x256xf32>
    %add3A = arith.addf %dot_general3A_5, %dot_general3A_13 : vector<1000x256xf32>
    %get3A_14 = arith.constant 0 : index
    %get3A_15 = arith.constant 0 : index
    %get3A_16 = vector.load %arg5[%get3A_14, %get3A_15] : memref<1000x128xf32, #tpu.memory_space<vmem>>, vector<1000x128xf32>
    %get3A_17 = arith.constant 0 : index
    %get3A_18 = arith.constant 0 : index
    %get3A_19 = vector.load %arg6[%get3A_17, %get3A_18] : memref<1000x128xf32, #tpu.memory_space<vmem>>, vector<1000x128xf32>
    %add3A_20 = arith.addf %get3A_16, %get3A_19 : vector<1000x128xf32>
    %slice3A = vector.extract_strided_slice %add3A_20 {offsets = [0, 0], sizes = [1000, 1], strides = [1, 1]} : vector<1000x128xf32> to vector<1000x1xf32>
    %get3A_21 = arith.constant 0 : index
    %get3A_22 = arith.constant 0 : index
    %get3A_23 = vector.load %arg1[%get3A_21, %get3A_22] : memref<1000x256xf32, #tpu.memory_space<vmem>>, vector<1000x256xf32>
    %get3A_24 = arith.constant 0 : index
    %get3A_25 = arith.constant 0 : index
    %get3A_26 = vector.load %arg2[%get3A_24, %get3A_25] : memref<1000x256xf32, #tpu.memory_space<vmem>>, vector<1000x256xf32>
    %mul3A = vector.broadcast %slice3A : vector<1000x1xf32> to vector<1000x256xf32>
    %mul3A_27 = arith.mulf %mul3A, %get3A_26 : vector<1000x256xf32>
    %add3A_28 = arith.addf %get3A_23, %mul3A_27 : vector<1000x256xf32>
    %sub3A = arith.subf %add3A_28, %add3A : vector<1000x256xf32>
    %swap3A = arith.constant 0 : index
    %swap3A_29 = arith.constant 0 : index
    %swap3A_30 = vector.load %arg9[%swap3A, %swap3A_29] : memref<1000x256xf32, #tpu.memory_space<vmem>>, vector<1000x256xf32>
    tpu.vector_store %arg9[%swap3A, %swap3A_29], %sub3A {strides = array<i32>} : memref<1000x256xf32, #tpu.memory_space<vmem>>, vector<1000x256xf32>,
    return
  }
  func.func @transform_0(%arg0: i32) -> (i32, i32) {
    %c0_i32 = arith.constant 0 : i32
    %c0_i32_0 = arith.constant 0 : i32
    return %arg0, %c0_i32 : i32, i32
  }
  func.func @transform_1(%arg0: i32) -> (i32, i32) {
    %c0_i32 = arith.constant 0 : i32
    %c0_i32_0 = arith.constant 0 : i32
    return %arg0, %c0_i32 : i32, i32
  }
  func.func @transform_2(%arg0: i32) -> (i32, i32) {
    %c0_i32 = arith.constant 0 : i32
    %c0_i32_0 = arith.constant 0 : i32
    return %arg0, %c0_i32 : i32, i32
  }
  func.func @transform_3(%arg0: i32) -> (i32, i32) {
    %c0_i32 = arith.constant 0 : i32
    %c0_i32_0 = arith.constant 0 : i32
    return %arg0, %c0_i32 : i32, i32
  }
  func.func @transform_4(%arg0: i32) -> (i32, i32) {
    %c0_i32 = arith.constant 0 : i32
    %c0_i32_0 = arith.constant 0 : i32
    return %arg0, %c0_i32 : i32, i32
  }
  func.func @transform_5(%arg0: i32) -> (i32, i32) {
    %c0_i32 = arith.constant 0 : i32
    %c0_i32_0 = arith.constant 0 : i32
    return %arg0, %c0_i32 : i32, i32
  }
  func.func @transform_6(%arg0: i32) -> (i32, i32) {
    %c0_i32 = arith.constant 0 : i32
    %c0_i32_0 = arith.constant 0 : i32
    %c0_i32_1 = arith.constant 0 : i32
    return %c0_i32, %c0_i32_0 : i32, i32
  }
  func.func @transform_7(%arg0: i32) -> (i32, i32) {
    %c0_i32 = arith.constant 0 : i32
    %c0_i32_0 = arith.constant 0 : i32
    %c0_i32_1 = arith.constant 0 : i32
    return %c0_i32, %c0_i32_0 : i32, i32
  }
  func.func @transform_8(%arg0: i32) -> (i32, i32) {
    %c0_i32 = arith.constant 0 : i32
    %c0_i32_0 = arith.constant 0 : i32
    return %arg0, %c0_i32 : i32, i32
  }
}

</mosaic_0001>

<sc_bundles>
// kernel: kernel.6.cloned.1.call-start
scs
__scs_entry_jumppad:
0x0: {  	(pc) =	sbr.rel $0x88, $3  }
0x1: {  	(tag) =	ssettag $0x0;
	lr =	simm.s32 $0x1  }
0x2: {  	[smem:$0x3F9A] =	sst lr;
	_ =	strace $0xD0000000  }
0x3: {  	_ = 	snop  }
0x4: {  	_ = 	snop  }
0x5: {  	_ = 	snop  }
0x6: {  	_ = 	snop  }
0x7: {  	_ = 	snop  }
__scs_overlays_trampoline_lowered:
0x8: {  	[smem:$0x3FA9] =	sst s0  }
0x9: {  	[smem:$0x3FAA] =	sst s1  }
0xa: {  	[smem:$0x3FAB] =	sst s2  }
0xb: {  	[smem:$0x3FAC] =	sst s3  }
0xc: {  	[smem:$0x3FAD] =	sst s4  }
0xd: {  	[smem:$0x3FAE] =	sst s5  }
0xe: {  	[smem:$0x3FAF] =	sst s6  }
0xf: {  	[smem:$0x3FB0] =	sst s7  }
0x10: {  	[smem:$0x3FB1] =	sst s8  }
0x11: {  	[smem:$0x3FB2] =	sst s9;
	s0 =	simm.s32 @!p0 $0x0  }
0x12: {  	s1 =	sld [smem:$0x3F98];
	s0 =	simm.s32 @p0 $0x1  }
0x13: {  	[smem:$0x3FB3] =	sst s0;
	s0 =	simm.s32 @!p1 $0x0  }
0x14: {  	s2 =	sld [smem:$0x3F97];
	s0 =	simm.s32 @p1 $0x1  }
0x15: {  	[smem:$0x3FB4] =	sst s0;
	s0 =	simm.s32 @!p2 $0x0  }
0x16: {  	s3 =	sld [smem:$0x3FDB];
	s0 =	simm.s32 @p2 $0x1  }
0x17: {  	s4 =	simm.s32 $0x1BF5;
	[smem:$0x3FB6] =	sst s0  }
0x18: {  	s0 =	sld [smem:$0x3F99];
	_ =	swait.ge [sflag:s4], $0x0  }
0x19: {  	s7 =	sld [smem:$0x3F9A]  }
0x1a: {  	s8 =	sadd.s32 $0xFFFFE003, lr  }
0x1b: {  	s9 =	sadd.s32 $0xFFFFFEF7, lr;
	s5 =	simm.s32 $0xFFFFFFFF;
	p2 =	slt.u32 s8, $0xFFFFF086  }
0x1c: {  	p1 =	slt.u32 s9, $0xF7A;
	s5 =	simm.s32 @!p2 $0x0  }
0x1d: {  	s5 =	simm.s32 @p1 $0x1;
	p0 =	seq.s32 s7, s2  }
0x1e: {  	s7 =	smul.u32 @!p0 $0xF7A, s2;
	p2 =	seq.s32 @!p0 s5, $0x0  }
0x1f: {  	s9 =	smul.u32 $0xF7A, s1;
	s8 =	simm.s32 @!p0 $0x1BF5;
	p2 =	por !p2, p0  }
0x20: {  	[sflag:s8] =	ssyncset.s32 @!p0 $0xFFFFF086;
	s6 =	sadd.s32 @!p0 s3, s7;
	s7 =	simm.s32 @!p0 $0x108  }
0x21: {  	s3 =	sadd.s32 s3, s9;
	s6 =	sadd.s32 @!p0 $0x88, s6;
	s7 =	simm.s32 @p2 $0x1082  }
0x22: {  	[simem:s7], [sflag:s8] =	dma.local @!p0 [hbm:s6], $0xF7A  }
0x23: {  	s9 =	sor.u32 $0xD0000000, s2;
	s6 =	simm.s32 $0x108;
	_ =	swait.ge @!p0 [sflag:s8], $0x0  }
0x24: {  	s3 =	sadd.s32 $0x88, s3;
	s6 =	simm.s32 @!p1 $0x1082;
	[sflag:s4] =	ssyncset.s32 $0xFFFFF086  }
0x25: {  	[simem:s6], [sflag:s4] =	dma.local [hbm:s3], $0xF7A  }
0x26: {  	[smem:$0x3F9A] =	sst s1;
	(tag) =	ssettag s2;
	_ =	strace s9  }
0x27: {  	s1 =	sld [smem:$0x3FAA]  }
0x28: {  	s2 =	sld [smem:$0x3FAB]  }
0x29: {  	s4 =	sld [smem:$0x3FAD]  }
0x2a: {  	p0 =	seq.s32 s5, $0x0;
	s5 =	sld [smem:$0x3FAE]  }
0x2b: {  	s6 =	sld [smem:$0x3FAF]  }
0x2c: {  	s7 =	sld [smem:$0x3FB0]  }
0x2d: {  	s3 =	simm.s32 $0x108;
	s8 =	sld [smem:$0x3FB1]  }
0x2e: {  	s3 =	simm.s32 @!p0 $0x1082;
	s9 =	sld [smem:$0x3FB2]  }
0x2f: {  	lr =	sadd.s32 s0, s3;
	s0 =	sld [smem:$0x3FA9]  }
0x30: {  	s3 =	sld [smem:$0x3FAC]  }
0x31: {  	[smem:$0x3FB5] =	sst s10  }
0x32: {  	s10 =	sld [smem:$0x3FB3];
	_ =	sdelay $0x3  }
0x33: {  	p0 =	seq.s32 s10, $0x1;
	s10 =	sld [smem:$0x3FB5];
	_ =	sdelay $0x3  }
0x34: {  	[smem:$0x3FB5] =	sst s10  }
0x35: {  	s10 =	sld [smem:$0x3FB4];
	_ =	sdelay $0x3  }
0x36: {  	p1 =	seq.s32 s10, $0x1;
	s10 =	sld [smem:$0x3FB5];
	_ =	sdelay $0x3  }
0x37: {  	[smem:$0x3FB5] =	sst s10  }
0x38: {  	s10 =	sld [smem:$0x3FB6]  }
0x39: {  	_ = 	snop;
	(pc) =	sbr.ind lr, $3  }
0x3a: {  	_ = 	snop  }
0x3b: {  	_ = 	snop  }
0x3c: {  	p2 =	seq.s32 s10, $0x1;
	s10 =	sld [smem:$0x3FB5]  }
0x3d: {  	_ =	shalt  }
0x3e: {  	_ =	shalt  }
0x3f: {  	_ =	shalt  }
0x40: {  	_ =	shalt  }
0x41: {  	_ =	shalt  }
0x42: {  	_ =	shalt  }
0x43: {  	_ =	shalt  }
0x44: {  	_ =	shalt  }
0x45: {  	_ =	shalt  }
0x46: {  	_ =	shalt  }
0x47: {  	_ =	shalt  }
0x48: {  	_ =	shalt  }
0x49: {  	_ =	shalt  }
0x4a: {  	_ =	shalt  }
0x4b: {  	_ =	shalt  }
0x4c: {  	_ =	shalt  }
0x4d: {  	_ =	shalt  }
0x4e: {  	_ =	shalt  }
0x4f: {  	_ =	shalt  }
0x50: {  	_ =	shalt  }
0x51: {  	_ =	shalt  }
0x52: {  	_ =	shalt  }
0x53: {  	_ =	shalt  }
0x54: {  	_ =	shalt  }
0x55: {  	_ =	shalt  }
0x56: {  	_ =	shalt  }
0x57: {  	_ =	shalt  }
0x58: {  	_ =	shalt  }
0x59: {  	_ =	shalt  }
0x5a: {  	_ =	shalt  }
0x5b: {  	_ =	shalt  }
0x5c: {  	_ =	shalt  }
0x5d: {  	_ =	shalt  }
0x5e: {  	_ =	shalt  }
0x5f: {  	_ =	shalt  }
0x60: {  	_ =	shalt  }
0x61: {  	_ =	shalt  }
0x62: {  	_ =	shalt  }
0x63: {  	_ =	shalt  }
0x64: {  	_ =	shalt  }
0x65: {  	_ =	shalt  }
0x66: {  	_ =	shalt  }
0x67: {  	_ =	shalt  }
0x68: {  	_ =	shalt  }
0x69: {  	_ =	shalt  }
0x6a: {  	_ =	shalt  }
0x6b: {  	_ =	shalt  }
0x6c: {  	_ =	shalt  }
0x6d: {  	_ =	shalt  }
0x6e: {  	_ =	shalt  }
0x6f: {  	_ =	shalt  }
0x70: {  	_ =	shalt  }
0x71: {  	_ =	shalt  }
0x72: {  	_ =	shalt  }
0x73: {  	_ =	shalt  }
0x74: {  	_ =	shalt  }
0x75: {  	_ =	shalt  }
0x76: {  	_ =	shalt  }
0x77: {  	_ =	shalt  }
0x78: {  	_ =	shalt  }
0x79: {  	_ =	shalt  }
0x7a: {  	_ =	shalt  }
0x7b: {  	_ =	shalt  }
0x7c: {  	_ =	shalt  }
0x7d: {  	_ =	shalt  }
0x7e: {  	_ =	shalt  }
0x7f: {  	_ =	shalt  }
0x80: {  	_ =	shalt  }
0x81: {  	_ =	shalt  }
0x82: {  	_ =	shalt  }
0x83: {  	_ =	shalt  }
0x84: {  	_ =	shalt  }
0x85: {  	_ =	shalt  }
0x86: {  	_ =	shalt  }
0x87: {  	_ =	shalt  }
.Lfunc_end0:
.L_simem_size_0:
called_computation_lowered:
.L_overlay_start_0:
0x88: {  	s2 =	sld [smem:$0x3FD9]  }
0x89: {  	s3 =	sld [smem:$0x3FFE];
	_ =	sdelay $0x1  }
0x8a: {  	s1 =	srdreg.scid  }
0x8b: {  	s0 =	sand.u32 $0x1, s1  }
0x8c: {  	s17 =	sshll.u32 s0, $0xA;
	s2 =	sadd.s32 s3, s2  }
0x8d: {  	s2 =	sadd.s32 s2, s17  }
0x8e: {  	[smem:$0x3FC1] =	sst s2  }
0x8f: {  	_ = 	snop  }
0x90: {  	s2 =	sld [smem:$0x3FD0];
	(tm) =	ssettm $0x1  }
0x91: {  	s18 =	sld [smem:$0x3FFB];
	_ =	sdelay $0x3  }
0x92: {  	_ =	strace s18  }
0x93: {  	s3 =	sld [smem:$0x3FFC];
	_ =	sdelay $0x3  }
0x94: {  	_ =	strace s3  }
0x95: {  	s3 =	sld [smem:$0x3FFD];
	_ =	sdelay $0x3  }
0x96: {  	_ =	strace s3  }
0x97: {  	_ =	strace $0x8FFFFFFF  }
0x98: {  	s19 =	sld [smem:$0x3FDB];
	_ =	sdelay $0x1  }
0x99: {  	s4 =	simm.s32 $_scs_section_size  }
0x9a: {  	s5 =	simm.s32 $_size__tile_overlayer_lowered;
	s6 =	simm.s32 $_tile_overlayer_lowered  }
0x9b: {  	s22 =	simm.s32 $0x1BFF;
	s21 =	sshll.u32 s6, $0x1;
	s3 =	sadd.s32 s4, s19  }
0x9c: {  	s7 =	simm.s32 $0x0;
	s20 =	sshll.u32 s5, $0x1;
	s5 =	sadd.s32 s21, s3  }
0x9d: {  	[timem:s7], [sflag:s22] =	dma.local [hbm:s5], s20  }
0x9e: {  	_ =	swait.ge [sflag:s22], s20  }
0x9f: {  	s4 =	ssub.s32 $0x0, s20;
	[sflag:s22] =	ssyncset.done $0x0  }
0xa0: {  	[sflag:s22] =	ssyncadd.s32 s4;
	_ =	sdelay $0x1  }
0xa1: {  	s23 =	simm.s32 $0x1B8B  }
0xa2: {  	_ =	swait.ge [sflag:s23], $0x1  }
0xa3: {  	[sflag:s23] =	ssyncset.done $0x0  }
0xa4: {  	s25 =	simm.s32 $0x1B8E;
	s24 =	sld [smem:$0x3FFE];
	[sflag:s23] =	ssyncadd.s32 $0xFFFFFFFF  }
0xa5: {  	s26 =	simm.s32 $execute0_lowered;
	[smem:$0x3FD2] =	sst s25  }
0xa6: {  	s5 =	sshll.u32 s26, $0x1;
	_ =	strace $0x80000046;
	[dreg:$0x1] =	wrdreg $0xFFFFFFFF  }
0xa7: {  	s28 =	simm.s32 $_size_execute0_lowered;
	s3 =	sadd.s32 s3, s5;
	[dreg:$0x0] =	wrdreg $0x0  }
0xa8: {  	s5 =	sshll.u32 s28, $0x1;
	[dreg:$0x2] =	wrdreg s3  }
0xa9: {  	[dreg:$0x3] =	wrdreg s5  }
0xaa: {  	[dreg:$0x4] =	wrdreg $0xC0  }
0xab: {  	_ =	task [dreg:s7], $0x5FFFF  }
0xac: {  	[dreg:$0x1] =	wrdreg $0xFFFFFFFF  }
0xad: {  	[dreg:$0x0] =	wrdreg $0x60  }
0xae: {  	[dreg:$0x2] =	wrdreg s24  }
0xaf: {  	[dreg:$0x3] =	wrdreg s2  }
0xb0: {  	[dreg:$0x4] =	wrdreg $0xAA000  }
0xb1: {  	[dreg:$0x5] =	wrdreg $0x9  }
0xb2: {  	_ =	task.clear_ibuf [dreg:s7], $0x6FFFF;
	_ =	strace $0x90000046  }
0xb3: {  	s29 =	simm.s32 $0x9;
	_ =	strace $0x80000048  }
0xb4: {  	_ =	swait.ge [sflag:s29], $0x1  }
0xb5: {  	[sflag:s29] =	ssyncadd.s32 $0xFFFFFFFF  }
0xb6: {  	_ =	strace $0x90000048  }
0xb7: {  	_ =	sfence  }
0xb8: {  	s30 =	sld [smem:$0x0];
	_ =	sdelay $0x2  }
0xb9: {  	s31 =	sshll.u32 s1, $0xD;
	s1 =	sshrl.u32 s1, $0x2  }
0xba: {  	s3 =	sand.u32 $0x4000, s31;
	s1 =	sadd.s32 s1, s30  }
0xbb: {  	s0 =	sor.u32 s3, s0;
	s1 =	sshll.u32 s1, $0x11  }
0xbc: {  	s0 =	sor.u32 s1, s0  }
0xbd: {  	s0 =	sadd.s32 $0x8F2B, s0  }
0xbe: {  	[sflag:s0] =	ssyncadd.remote.s32 $0x1  }
0xbf: {  	_ =	sfence.sel $0xFFFF  }
0xc0: {  	[dreg:$0x0] =	wrdreg $0xFFFFFFFF;
	(pc) =	sbr.abs _section_cstart, $3  }
0xc1: {  	[dreg:$0x1] =	wrdreg $0xFFFFFFFF  }
0xc2: {  	_ =	task.clear_ibuf [dreg:s7], $0x2FFFF;
	_ =	strace $0x9FFFFFFF  }
0xc3: {  	(tm) =	ssettm $0x7FFFFFFF  }
tec
execute0_lowered:
.L_overlay_start_1:
0x0: {  	(tag) =	ssettag $0x1  }
0x1: {  	s0 =	rddreg [dreg:$0x0]  }
0x2: {  	s1 =	rddreg [dreg:$0x1]  }
0x3: {  	s2 =	rddreg [dreg:$0x2];
	s3 =	simm.s32 $0x0  }
0x4: {  	s7 =	srdreg.scid;
	s12 =	stileid.u32;
	s28 =	simm.s32 $0x2A00  }
0x5: {  	s29 =	simm.s32 $0x2;
	s31 =	simm.s32 $0x6A00;
	[smem:$0x7FF] =	sst s3  }
0x6: {  	s4 =	sadd.s32 $0xD000, s0;
	s5 =	sadd.s32 $0x3000, s0;
	s6 =	sadd.s32 $0x34200, s0  }
0x7: {  	s8 =	sadd.s32 $0x39200, s0;
	s7 =	sand.u32 $0x1, s7;
	s9 =	smul.u32 $0x50000, s12  }
0x8: {  	s14 =	sadd.s32 $0x3BA00, s0;
	s0 =	sadd.s32 $0x63A00, s0;
	s10 =	smul.u32 $0xA00, s12  }
0x9: {  	s13 =	smul.u32 $0x2800, s12;
	_ =	strace $0x80000047;
	[dreg:$0x4] =	wrdreg s8  }
0xa: {  	s18 =	sshll.u32 s12, $0x6;
	s11 =	smul.u32 $0x5000, s12;
	[dreg:$0x5] =	wrdreg s14  }
0xb: {  	s22 =	smul.u32 $0x500, s12;
	s15 =	ssub.s32 $0x2, s7;
	[dreg:$0x6] =	wrdreg s0  }
0xc: {  	p0 =	sne.s32 s7, $0x0;
	s7 =	simm.s32 $0x5;
	s14 =	simm.s32 $0xB  }
0xd: {  	s16 =	sshrl.u32 s15, $0x1;
	s17 =	sshrl.u32 s9, $0x2;
	s19 =	sadd.s32 s5, s10  }
0xe: {  	[dreg:$0x7] =	wrdreg s13;
	s20 =	sshrl.u32 s13, $0x3;
	s21 =	sshrl.u32 s11, $0x3  }
0xf: {  	s26 =	sadd.s32 s22, s6;
	s11 =	simm.s32 $0x9;
	s9 =	simm.s32 $0x3  }
0x10: {  	s0 =	ssub.s32 s15, s16;
	s8 =	sadd.s32 s17, s2;
	s17 =	sor.u32 $0x1C0D, s18  }
0x11: {  	[dreg:$0x9] =	wrdreg s19;
	s13 =	sadd.s32 s6, s20;
	s5 =	sadd.s32 s5, s21  }
0x12: {  	s30 =	sadd.s32 $0x38, s26;
	s18 =	simm.s32 $0xD;
	s19 =	simm.s32 $0x2800  }
0x13: {  	s20 =	simm.s32 $0x2880;
	s26 =	simm.s32 $0x40;
	s6 =	simm.s32 $0x8  }
0x14: {  	s15 =	simm.s32 $0xC;
	s21 =	simm.s32 $0x0;
	[dreg:$0xa] =	wrdreg s13  }
0x15: {  	s23 =	sadd.s32 $0x8, s13;
	s24 =	sadd.s32 $0x10, s13;
	[dreg:$0xf] =	wrdreg s30  }
0x16: {  	s25 =	sadd.s32 $0x18, s13;
	s16 =	sadd.s32 $0x500, s5;
	[dreg:$0x8] =	wrdreg s17  }
.Ltmp0:
0x17: {  	s0 =	smax.u32 s0, $0x1;
	[dreg:$0xb] =	wrdreg s23;
	(pc) =	sbr.rel .LBB2_1-.Ltmp0, $4  }
0x18: {  	s12 =	sshrl.u32 s8, $0x3;
	s5 =	simm.s32 $0x8A00;
	[dreg:$0xc] =	wrdreg s24  }
0x19: {  	s8 =	simm.s32 $0x7;
	s13 =	simm.s32 $0xA;
	[dreg:$0xd] =	wrdreg s25  }
0x1a: {  	[dreg:$0xe] =	wrdreg s0;
	s23 =	simm.s32 $0x2900;
	s24 =	simm.s32 $0x2980  }
0x1b: {  	s25 =	simm.s32 $0x1;
	s0 =	simm.s32 $0x4;
	[dreg:$0x10] =	wrdreg s12  }
.LBB2_8:
0x1c: {  	s10 =	rddreg [dreg:$0x6]  }
0x1d: {  	s20 =	simm.s32 $0x2880;
	s21 =	rddreg [dreg:$0x11]  }
.LBB2_9:
0x1e: {  	_ =	swait.ge [sflag:s6], $0x2000  }
0x1f: {  	[sflag:s6] =	ssyncset.done $0x0  }
0x20: {  	s12 =	simm.s32 $0x2780;
	[sflag:s6] =	ssyncadd.s32 $0xFFFFE000  }
0x21: {  	[spmem:s2] =	stream.indirect.scatter.add.f32 [tilespmem:s5], [sflag:$0xC], $0x80, s12, s26, $0xb8;
	[tilespmem:$0x1EA00] =	vst v63  }
0x22: {  	_ =	swait.ge [sflag:s11], $0x2000  }
0x23: {  	[sflag:s11] =	ssyncset.done $0x0  }
0x24: {  	[sflag:s11] =	ssyncadd.s32 $0xFFFFE000  }
0x25: {  	_ =	swait.ge [sflag:s13], $0x2000  }
0x26: {  	[sflag:s13] =	ssyncset.done $0x0  }
0x27: {  	[sflag:s13] =	ssyncadd.s32 $0xFFFFE000  }
0x28: {  	_ =	swait.ge [sflag:s14], $0x2000  }
0x29: {  	[sflag:s14] =	ssyncset.done $0x0  }
0x2a: {  	[sflag:s14] =	ssyncadd.s32 $0xFFFFE000  }
0x2b: {  	_ =	swait.ge [sflag:s15], $0x2000  }
0x2c: {  	[sflag:s15] =	ssyncset.done $0x0  }
0x2d: {  	[sflag:s15] =	ssyncadd.s32 $0xFFFFE000  }
0x2e: {  	s22 =	rddreg [dreg:$0x7];
	[bflag:$0x0] =	sbarrier.arrive $0xFFFF  }
0x2f: {  	s17 =	rddreg [dreg:$0x8]  }
0x30: {  	s18 =	simm.s32 $0xD;
	s10 =	sadd.s32 s10, s22;
	s12 =	rddreg [dreg:$0x10]  }
0x31: {  	[hbm:s10], [sflag:s17] =	dma.local [spmem:s12], $0x2800  }
0x32: {  	_ =	swait.ge [sflag:s18], $0x2800  }
0x33: {  	s21 =	sadd.s32 $0x1, s21;
	s30 =	rddreg [dreg:$0xe]  }
0x34: {  	p1 =	sne.s32 s21, s30  }
.Ltmp1:
0x35: {  	_ = 	snop;
	(pc) =	sbr.rel @!p1 .LBB2_10-.Ltmp1, $3  }
0x36: {  	_ =	sdelay $0x1  }
0x37: {  	[sflag:s18] =	ssyncset.done $0x0  }
0x38: {  	s19 =	simm.s32 $0x2800;
	[sflag:s18] =	ssyncadd.s32 $0xFFFFD800  }
.LBB2_1:
0x39: {  	s10 =	rddreg [dreg:$0x4]  }
0x3a: {  	[spmem:s12], [sflag:s17] =	dma.local [hbm:s10], $0x2800  }
0x3b: {  	_ =	swait.ge [sflag:s18], $0x2800  }
0x3c: {  	[sflag:s18] =	ssyncset.done $0x0  }
0x3d: {  	s12 =	rddreg [dreg:$0x9];
	[sflag:s18] =	ssyncadd.s32 $0xFFFFD800  }
0x3e: {  	[tilespmem:s3], [sflag:$0xD] =	stream.linear.gather [hbm4b:s12+s3], $0x2800, $0x38;
	[tilespmem:$0x1EA00] =	vst v63  }
0x3f: {  	_ =	swait.ge [sflag:s18], $0x2800  }
0x40: {  	[sflag:s18] =	ssyncset.done $0x0  }
0x41: {  	[sflag:s18] =	ssyncadd.s32 $0xFFFFD800  }
0x42: {  	[bflag:$0x0] =	sbarrier.arrive $0xFFFF  }
0x43: {  	s17 =	rddreg [dreg:$0xa]  }
0x44: {  	[tilespmem:s19], [sflag:$0x1] =	stream.linear.gather [hbm4b:s17+s3], $0x40, $0x38;
	[tilespmem:$0x1EA00] =	vst v63  }
0x45: {  	s18 =	rddreg [dreg:$0xb]  }
0x46: {  	[tilespmem:s20], [sflag:$0x2] =	stream.linear.gather [hbm4b:s18+s3], $0x40, $0x38;
	[tilespmem:$0x1EA00] =	vst v63  }
0x47: {  	s22 =	rddreg [dreg:$0xc]  }
0x48: {  	[tilespmem:s23], [sflag:$0x3] =	stream.linear.gather [hbm4b:s22+s3], $0x40, $0x38;
	[tilespmem:$0x1EA00] =	vst v63  }
.Ltmp2:
0x49: {  	s30 =	rddreg [dreg:$0xd];
	(pc) =	sbr.rel @p0 .LBB2_6-.Ltmp2, $4  }
0x4a: {  	[tilespmem:s24], [sflag:$0x4] =	stream.linear.gather [hbm4b:s30+s3], $0x40, $0x38;
	[tilespmem:$0x1EA00] =	vst v63  }
0x4b: {  	_ =	swait.ge [sflag:s25], $0x40  }
0x4c: {  	[sflag:s25] =	ssyncset.done $0x0  }
0x4d: {  	[dreg:$0x11] =	wrdreg s21;
	[sflag:s25] =	ssyncadd.s32 $0xFFFFFFC0  }
0x4e: {  	[tilespmem:s28], [sflag:$0x5] =	stream.indirect.gather [hbm4b:s4+s26], $0x80, s19, s26, $0xb8;
	[tilespmem:$0x1EA00] =	vst v63  }
0x4f: {  	_ =	swait.ge [sflag:s29], $0x40  }
0x50: {  	[sflag:s29] =	ssyncset.done $0x0  }
0x51: {  	s10 =	simm.s32 $0x4A00;
	s18 =	simm.s32 $0x3;
	[sflag:s29] =	ssyncadd.s32 $0xFFFFFFC0  }
0x52: {  	[tilespmem:s10], [sflag:$0x6] =	stream.indirect.gather [hbm4b:s4+s26], $0x80, s20, s26, $0xb8;
	[tilespmem:$0x1EA00] =	vst v63  }
0x53: {  	_ =	swait.ge [sflag:s18], $0x40  }
0x54: {  	[sflag:s18] =	ssyncset.done $0x0  }
0x55: {  	[sflag:s18] =	ssyncadd.s32 $0xFFFFFFC0  }
0x56: {  	[tilespmem:s31], [sflag:$0x7] =	stream.indirect.gather [hbm4b:s4+s26], $0x80, s23, s26, $0xb8;
	[tilespmem:$0x1EA00] =	vst v63  }
0x57: {  	_ =	swait.ge [sflag:s0], $0x40  }
0x58: {  	s22 =	simm.s32 $0x2880;
	s12 =	simm.s32 $0x0;
	[sflag:s0] =	ssyncset.done $0x0  }
0x59: {  	s19 =	simm.s32 $0x0;
	s10 =	rddreg [dreg:$0xf];
	[sflag:s0] =	ssyncadd.s32 $0xFFFFFFC0  }
0x5a: {  	[tilespmem:s5], [sflag:$0x8] =	stream.indirect.gather [hbm4b:s4+s26], $0x80, s24, s26, $0xb8;
	[tilespmem:$0x1EA00] =	vst v63  }
.LBB2_3:
0x5b: {  	p1 =	sne.s32 s18, $0x53  }
0x5c: {  	s20 =	simm.s32 @!p1 $0x0  }
0x5d: {  	[tilespmem:s20], [sflag:$0xD] =	stream.linear.gather @!p1 [hbm4b:s16+s20], $0x2800, $0x38;
	[tilespmem:$0x1EA00] =	vst v63  }
0x5e: {  	s20 =	simm.s32 @!p1 $0xD  }
0x5f: {  	_ =	swait.ge @!p1 [sflag:s20], $0x2800  }
0x60: {  	[sflag:s20] =	ssyncset.done @!p1 $0x0  }
0x61: {  	[sflag:s20] =	ssyncadd.s32 @!p1 $0xFFFFD800  }
0x62: {  	p1 =	slt.u32 s19, $0x14;
	s20 =	sadd.s32 $0xFFFF6000, s12;
	_ =	swait.ge [sflag:s7], $0x2000  }
0x63: {  	s20 =	smov.u32 @p1 s12;
	[sflag:s7] =	ssyncset.done $0x0  }
0x64: {  	p2 =	seq.s32 s18, $0x9F;
	s20 =	sshra.s32 s20, $0x2;
	[sflag:s7] =	ssyncadd.s32 $0xFFFFE000  }
0x65: {  	[spmem:s2] =	stream.indirect.scatter.add.f32 [tilespmem:s28], [sflag:$0x9], $0x80, s20, s26, $0xb8;
	[tilespmem:$0x1EA00] =	vst v63  }
0x66: {  	s20 =	simm.s32 @p2 $0x6  }
0x67: {  	_ =	swait.ge @p2 [sflag:s20], $0x2000  }
0x68: {  	s17 =	simm.s32 @p2 $0x2680;
	s30 =	simm.s32 @p2 $0x4A00;
	[sflag:s20] =	ssyncset.done @p2 $0x0  }
0x69: {  	p3 =	slt.u32 @!p2 s19, $0x14;
	[sflag:s20] =	ssyncadd.s32 @p2 $0xFFFFE000;
	s20 =	simm.s32 @p2 $0x40  }
0x6a: {  	[spmem:s2] =	stream.indirect.scatter.add.f32 @p2 [tilespmem:s30], [sflag:$0xA], $0x80, s17, s20, $0xb8;
	[tilespmem:$0x1EA00] =	vst v63  }
0x6b: {  	s17 =	sadd.s32 @!p2 $0xFFFFFFE8, s10;
	s20 =	simm.s32 @!p2 $0x0;
	s30 =	simm.s32 @!p2 $0x2800  }
0x6c: {  	[tilespmem:s30], [sflag:$0x1] =	stream.linear.gather @!p2 [hbm4b:s17+s20], $0x40, $0x38;
	[tilespmem:$0x1EA00] =	vst v63  }
0x6d: {  	p3 =	por !p3, p2;
	s17 =	simm.s32 @!p2 $0x6;
	s30 =	simm.s32 @!p2 $0xFFFFFFFE  }
0x6e: {  	_ =	swait.ge @!p2 [sflag:s17], $0x2000;
	s30 =	simm.s32 @p3 $0xFFFFFFAE  }
0x6f: {  	[sflag:s17] =	ssyncset.done @!p2 $0x0;
	s30 =	sadd.s32 @!p2 s30, s18  }
0x70: {  	[sflag:s17] =	ssyncadd.s32 @!p2 $0xFFFFE000;
	s17 =	sshll.u32 @!p2 s30, $0x7  }
0x71: {  	s21 =	simm.s32 @!p2 $0x4A00;
	s30 =	simm.s32 @!p2 $0x40;
	s17 =	sand.u32 @!p2 $0x3FFFFF80, s17  }
0x72: {  	[spmem:s2] =	stream.indirect.scatter.add.f32 @!p2 [tilespmem:s21], [sflag:$0xA], $0x80, s17, s30, $0xb8;
	[tilespmem:$0x1EA00] =	vst v63  }
0x73: {  	s17 =	sadd.s32 @!p2 $0xFFFFFFF0, s10;
	s21 =	simm.s32 @!p2 $0x2880  }
0x74: {  	[tilespmem:s21], [sflag:$0x2] =	stream.linear.gather @!p2 [hbm4b:s17+s20], $0x40, $0x38;
	[tilespmem:$0x1EA00] =	vst v63  }
0x75: {  	s17 =	simm.s32 $0xFFFFFFFF  }
.Ltmp3:
0x76: {  	s17 =	simm.s32 @!p1 $0xFFFFFFAF;
	(pc) =	sbr.rel @p2 .LBB2_4-.Ltmp3, $4  }
0x77: {  	_ =	swait.ge [sflag:s8], $0x2000;
	s17 =	sadd.s32 s17, s18  }
0x78: {  	[sflag:s8] =	ssyncset.done $0x0;
	s17 =	sshll.u32 s17, $0x7  }
0x79: {  	[sflag:s8] =	ssyncadd.s32 $0xFFFFE000;
	s17 =	sand.u32 $0x3FFFFF80, s17  }
0x7a: {  	[spmem:s2] =	stream.indirect.scatter.add.f32 [tilespmem:s31], [sflag:$0xB], $0x80, s17, s26, $0xb8;
	[tilespmem:$0x1EA00] =	vst v63  }
0x7b: {  	s17 =	sadd.s32 $0xFFFFFFF8, s10  }
0x7c: {  	[tilespmem:s23], [sflag:$0x3] =	stream.linear.gather [hbm4b:s17+s3], $0x40, $0x38;
	[tilespmem:$0x1EA00] =	vst v63  }
0x7d: {  	s17 =	sadd.s32 $0xFFFFFFB0, s18  }
0x7e: {  	_ =	swait.ge [sflag:s6], $0x2000;
	s17 =	smov.u32 @p1 s18  }
0x7f: {  	[sflag:s6] =	ssyncset.done $0x0;
	s17 =	sshll.u32 s17, $0x7  }
0x80: {  	[sflag:s6] =	ssyncadd.s32 $0xFFFFE000;
	s17 =	sand.u32 $0x3FFFFF80, s17  }
0x81: {  	[spmem:s2] =	stream.indirect.scatter.add.f32 [tilespmem:s5], [sflag:$0xC], $0x80, s17, s26, $0xb8;
	[tilespmem:$0x1EA00] =	vst v63  }
0x82: {  	_ = 	snop  }
0x83: {  	[tilespmem:s24], [sflag:$0x4] =	stream.linear.gather [hbm4b:s10+s3], $0x40, $0x38;
	[tilespmem:$0x1EA00] =	vst v63  }
0x84: {  	_ =	swait.ge [sflag:s25], $0x40  }
0x85: {  	[sflag:s25] =	ssyncset.done $0x0  }
0x86: {  	[sflag:s25] =	ssyncadd.s32 $0xFFFFFFC0  }
0x87: {  	_ =	swait.ge [sflag:s11], $0x2000  }
0x88: {  	[sflag:s11] =	ssyncset.done $0x0  }
0x89: {  	s21 =	simm.s32 $0x2800;
	[sflag:s11] =	ssyncadd.s32 $0xFFFFE000  }
0x8a: {  	[tilespmem:s28], [sflag:$0x5] =	stream.indirect.gather [hbm4b:s4+s26], $0x80, s21, s26, $0xb8;
	[tilespmem:$0x1EA00] =	vst v63  }
0x8b: {  	_ =	swait.ge [sflag:s29], $0x40  }
0x8c: {  	[sflag:s29] =	ssyncset.done $0x0  }
0x8d: {  	[sflag:s29] =	ssyncadd.s32 $0xFFFFFFC0  }
0x8e: {  	_ =	swait.ge [sflag:s13], $0x2000  }
0x8f: {  	[sflag:s13] =	ssyncset.done $0x0  }
0x90: {  	s30 =	simm.s32 $0x4A00;
	[sflag:s13] =	ssyncadd.s32 $0xFFFFE000  }
0x91: {  	[tilespmem:s30], [sflag:$0x6] =	stream.indirect.gather [hbm4b:s4+s26], $0x80, s22, s26, $0xb8;
	[tilespmem:$0x1EA00] =	vst v63  }
0x92: {  	_ =	swait.ge [sflag:s9], $0x40  }
0x93: {  	[sflag:s9] =	ssyncset.done $0x0  }
0x94: {  	[sflag:s9] =	ssyncadd.s32 $0xFFFFFFC0  }
0x95: {  	_ =	swait.ge [sflag:s14], $0x2000  }
0x96: {  	[sflag:s14] =	ssyncset.done $0x0  }
0x97: {  	[sflag:s14] =	ssyncadd.s32 $0xFFFFE000  }
0x98: {  	[tilespmem:s31], [sflag:$0x7] =	stream.indirect.gather [hbm4b:s4+s26], $0x80, s23, s26, $0xb8;
	[tilespmem:$0x1EA00] =	vst v63  }
0x99: {  	_ =	swait.ge [sflag:s0], $0x40  }
0x9a: {  	[sflag:s0] =	ssyncset.done $0x0  }
.Ltmp4:
0x9b: {  	[sflag:s0] =	ssyncadd.s32 $0xFFFFFFC0;
	(pc) =	sbr.rel .LBB2_3-.Ltmp4, $4  }
0x9c: {  	_ =	swait.ge [sflag:s15], $0x2000  }
0x9d: {  	s19 =	sadd.s32 $0x1, s19;
	s12 =	sadd.s32 $0x800, s12;
	[sflag:s15] =	ssyncset.done $0x0  }
0x9e: {  	s18 =	sadd.s32 $0x4, s18;
	s10 =	sadd.s32 $0x20, s10;
	[sflag:s15] =	ssyncadd.s32 $0xFFFFE000  }
0x9f: {  	[tilespmem:s5], [sflag:$0x8] =	stream.indirect.gather [hbm4b:s4+s26], $0x80, s24, s26, $0xb8;
	[tilespmem:$0x1EA00] =	vst v63  }
.LBB2_6:
0xa0: {  	[tilespmem:s28], [sflag:$0x5] =	stream.indirect.gather [hbm4b:s1+s26], $0x80, s19, s26, $0xb8;
	[tilespmem:$0x1EA00] =	vst v63  }
0xa1: {  	_ =	swait.ge [sflag:s29], $0x40  }
0xa2: {  	[sflag:s29] =	ssyncset.done $0x0  }
0xa3: {  	s10 =	simm.s32 $0x4A00;
	s18 =	simm.s32 $0x3;
	[sflag:s29] =	ssyncadd.s32 $0xFFFFFFC0  }
0xa4: {  	[tilespmem:s10], [sflag:$0x6] =	stream.indirect.gather [hbm4b:s1+s26], $0x80, s20, s26, $0xb8;
	[tilespmem:$0x1EA00] =	vst v63  }
0xa5: {  	_ =	swait.ge [sflag:s18], $0x40  }
0xa6: {  	[sflag:s18] =	ssyncset.done $0x0  }
0xa7: {  	[sflag:s18] =	ssyncadd.s32 $0xFFFFFFC0  }
0xa8: {  	[tilespmem:s31], [sflag:$0x7] =	stream.indirect.gather [hbm4b:s1+s26], $0x80, s23, s26, $0xb8;
	[tilespmem:$0x1EA00] =	vst v63  }
0xa9: {  	_ =	swait.ge [sflag:s0], $0x40  }
0xaa: {  	s22 =	simm.s32 $0x2880;
	s12 =	simm.s32 $0x0;
	[sflag:s0] =	ssyncset.done $0x0  }
0xab: {  	s19 =	simm.s32 $0x0;
	s10 =	rddreg [dreg:$0xf];
	[sflag:s0] =	ssyncadd.s32 $0xFFFFFFC0  }
0xac: {  	[tilespmem:s5], [sflag:$0x8] =	stream.indirect.gather [hbm4b:s1+s26], $0x80, s24, s26, $0xb8;
	[tilespmem:$0x1EA00] =	vst v63  }
.LBB2_7:
0xad: {  	p1 =	sne.s32 s18, $0x53  }
0xae: {  	s17 =	simm.s32 @!p1 $0x0  }
0xaf: {  	[tilespmem:s17], [sflag:$0xD] =	stream.linear.gather @!p1 [hbm4b:s16+s17], $0x2800, $0x38;
	[tilespmem:$0x1EA00] =	vst v63  }
0xb0: {  	s17 =	simm.s32 @!p1 $0xD  }
0xb1: {  	_ =	swait.ge @!p1 [sflag:s17], $0x2800  }
0xb2: {  	[sflag:s17] =	ssyncset.done @!p1 $0x0  }
0xb3: {  	[sflag:s17] =	ssyncadd.s32 @!p1 $0xFFFFD800  }
0xb4: {  	p1 =	slt.u32 s19, $0x14;
	s17 =	sadd.s32 $0xFFFF6000, s12;
	_ =	swait.ge [sflag:s7], $0x2000  }
0xb5: {  	s17 =	smov.u32 @p1 s12;
	[sflag:s7] =	ssyncset.done $0x0  }
0xb6: {  	p2 =	seq.s32 s18, $0x9F;
	s17 =	sshra.s32 s17, $0x2;
	[sflag:s7] =	ssyncadd.s32 $0xFFFFE000  }
0xb7: {  	[spmem:s2] =	stream.indirect.scatter.add.f32 [tilespmem:s28], [sflag:$0x9], $0x80, s17, s26, $0xb8;
	[tilespmem:$0x1EA00] =	vst v63  }
0xb8: {  	s17 =	simm.s32 @p2 $0x6  }
0xb9: {  	_ =	swait.ge @p2 [sflag:s17], $0x2000  }
0xba: {  	s20 =	simm.s32 @p2 $0x2680;
	s21 =	simm.s32 @p2 $0x4A00;
	[sflag:s17] =	ssyncset.done @p2 $0x0  }
0xbb: {  	p3 =	slt.u32 @!p2 s19, $0x14;
	[sflag:s17] =	ssyncadd.s32 @p2 $0xFFFFE000;
	s17 =	simm.s32 @p2 $0x40  }
0xbc: {  	[spmem:s2] =	stream.indirect.scatter.add.f32 @p2 [tilespmem:s21], [sflag:$0xA], $0x80, s20, s17, $0xb8;
	[tilespmem:$0x1EA00] =	vst v63  }
0xbd: {  	s17 =	sadd.s32 @!p2 $0xFFFFFFE8, s10;
	s20 =	simm.s32 @!p2 $0x0;
	s21 =	simm.s32 @!p2 $0x2800  }
0xbe: {  	[tilespmem:s21], [sflag:$0x1] =	stream.linear.gather @!p2 [hbm4b:s17+s20], $0x40, $0x38;
	[tilespmem:$0x1EA00] =	vst v63  }
0xbf: {  	p3 =	por !p3, p2;
	s17 =	simm.s32 @!p2 $0x6;
	s21 =	simm.s32 @!p2 $0xFFFFFFFE  }
0xc0: {  	_ =	swait.ge @!p2 [sflag:s17], $0x2000;
	s21 =	simm.s32 @p3 $0xFFFFFFAE  }
0xc1: {  	[sflag:s17] =	ssyncset.done @!p2 $0x0;
	s21 =	sadd.s32 @!p2 s21, s18  }
0xc2: {  	[sflag:s17] =	ssyncadd.s32 @!p2 $0xFFFFE000;
	s17 =	sshll.u32 @!p2 s21, $0x7  }
0xc3: {  	s30 =	simm.s32 @!p2 $0x4A00;
	s21 =	simm.s32 @!p2 $0x40;
	s17 =	sand.u32 @!p2 $0x3FFFFF80, s17  }
0xc4: {  	[spmem:s2] =	stream.indirect.scatter.add.f32 @!p2 [tilespmem:s30], [sflag:$0xA], $0x80, s17, s21, $0xb8;
	[tilespmem:$0x1EA00] =	vst v63  }
0xc5: {  	s17 =	sadd.s32 @!p2 $0xFFFFFFF0, s10;
	s21 =	simm.s32 @!p2 $0x2880  }
0xc6: {  	[tilespmem:s21], [sflag:$0x2] =	stream.linear.gather @!p2 [hbm4b:s17+s20], $0x40, $0x38;
	[tilespmem:$0x1EA00] =	vst v63  }
0xc7: {  	s17 =	simm.s32 $0xFFFFFFFF  }
.Ltmp5:
0xc8: {  	s17 =	simm.s32 @!p1 $0xFFFFFFAF;
	(pc) =	sbr.rel @p2 .LBB2_8-.Ltmp5, $4  }
0xc9: {  	_ =	swait.ge [sflag:s8], $0x2000;
	s17 =	sadd.s32 s17, s18  }
0xca: {  	[sflag:s8] =	ssyncset.done $0x0;
	s17 =	sshll.u32 s17, $0x7  }
0xcb: {  	[sflag:s8] =	ssyncadd.s32 $0xFFFFE000;
	s17 =	sand.u32 $0x3FFFFF80, s17  }
0xcc: {  	[spmem:s2] =	stream.indirect.scatter.add.f32 [tilespmem:s31], [sflag:$0xB], $0x80, s17, s26, $0xb8;
	[tilespmem:$0x1EA00] =	vst v63  }
0xcd: {  	s17 =	sadd.s32 $0xFFFFFFF8, s10  }
0xce: {  	[tilespmem:s23], [sflag:$0x3] =	stream.linear.gather [hbm4b:s17+s3], $0x40, $0x38;
	[tilespmem:$0x1EA00] =	vst v63  }
0xcf: {  	s17 =	sadd.s32 $0xFFFFFFB0, s18  }
0xd0: {  	_ =	swait.ge [sflag:s6], $0x2000;
	s17 =	smov.u32 @p1 s18  }
0xd1: {  	[sflag:s6] =	ssyncset.done $0x0;
	s17 =	sshll.u32 s17, $0x7  }
0xd2: {  	[sflag:s6] =	ssyncadd.s32 $0xFFFFE000;
	s17 =	sand.u32 $0x3FFFFF80, s17  }
0xd3: {  	[spmem:s2] =	stream.indirect.scatter.add.f32 [tilespmem:s5], [sflag:$0xC], $0x80, s17, s26, $0xb8;
	[tilespmem:$0x1EA00] =	vst v63  }
0xd4: {  	_ = 	snop  }
0xd5: {  	[tilespmem:s24], [sflag:$0x4] =	stream.linear.gather [hbm4b:s10+s3], $0x40, $0x38;
	[tilespmem:$0x1EA00] =	vst v63  }
0xd6: {  	_ =	swait.ge [sflag:s25], $0x40  }
0xd7: {  	[sflag:s25] =	ssyncset.done $0x0  }
0xd8: {  	[sflag:s25] =	ssyncadd.s32 $0xFFFFFFC0  }
0xd9: {  	_ =	swait.ge [sflag:s11], $0x2000  }
0xda: {  	[sflag:s11] =	ssyncset.done $0x0  }
0xdb: {  	s21 =	simm.s32 $0x2800;
	[sflag:s11] =	ssyncadd.s32 $0xFFFFE000  }
0xdc: {  	[tilespmem:s28], [sflag:$0x5] =	stream.indirect.gather [hbm4b:s1+s26], $0x80, s21, s26, $0xb8;
	[tilespmem:$0x1EA00] =	vst v63  }
0xdd: {  	_ =	swait.ge [sflag:s29], $0x40  }
0xde: {  	[sflag:s29] =	ssyncset.done $0x0  }
0xdf: {  	[sflag:s29] =	ssyncadd.s32 $0xFFFFFFC0  }
0xe0: {  	_ =	swait.ge [sflag:s13], $0x2000  }
0xe1: {  	[sflag:s13] =	ssyncset.done $0x0  }
0xe2: {  	s30 =	simm.s32 $0x4A00;
	[sflag:s13] =	ssyncadd.s32 $0xFFFFE000  }
0xe3: {  	[tilespmem:s30], [sflag:$0x6] =	stream.indirect.gather [hbm4b:s1+s26], $0x80, s22, s26, $0xb8;
	[tilespmem:$0x1EA00] =	vst v63  }
0xe4: {  	_ =	swait.ge [sflag:s9], $0x40  }
0xe5: {  	[sflag:s9] =	ssyncset.done $0x0  }
0xe6: {  	[sflag:s9] =	ssyncadd.s32 $0xFFFFFFC0  }
0xe7: {  	_ =	swait.ge [sflag:s14], $0x2000  }
0xe8: {  	[sflag:s14] =	ssyncset.done $0x0  }
0xe9: {  	[sflag:s14] =	ssyncadd.s32 $0xFFFFE000  }
0xea: {  	[tilespmem:s31], [sflag:$0x7] =	stream.indirect.gather [hbm4b:s1+s26], $0x80, s23, s26, $0xb8;
	[tilespmem:$0x1EA00] =	vst v63  }
0xeb: {  	_ =	swait.ge [sflag:s0], $0x40  }
0xec: {  	[sflag:s0] =	ssyncset.done $0x0  }
.Ltmp6:
0xed: {  	[sflag:s0] =	ssyncadd.s32 $0xFFFFFFC0;
	(pc) =	sbr.rel .LBB2_7-.Ltmp6, $4  }
0xee: {  	_ =	swait.ge [sflag:s15], $0x2000  }
0xef: {  	s19 =	sadd.s32 $0x1, s19;
	s12 =	sadd.s32 $0x800, s12;
	[sflag:s15] =	ssyncset.done $0x0  }
0xf0: {  	s18 =	sadd.s32 $0x4, s18;
	s10 =	sadd.s32 $0x20, s10;
	[sflag:s15] =	ssyncadd.s32 $0xFFFFE000  }
0xf1: {  	[tilespmem:s5], [sflag:$0x8] =	stream.indirect.gather [hbm4b:s1+s26], $0x80, s24, s26, $0xb8;
	[tilespmem:$0x1EA00] =	vst v63  }
.LBB2_4:
.Ltmp7:
0xf2: {  	(pc) =	sbr.rel .LBB2_9-.Ltmp7, $3  }
0xf3: {  	_ =	sdelay $0x1  }
0xf4: {  	s10 =	rddreg [dreg:$0x5]  }
0xf5: {  	s20 =	simm.s32 $0x2880;
	s21 =	rddreg [dreg:$0x11]  }
.LBB2_10:
0xf6: {  	_ =	sfence.sel $0x180000  }
0xf7: {  	[bflag:$0x0] =	sbarrier.arrive $0xFFFF  }
0xf8: {  	_ =	strace $0x90000047  }
0xf9: {  	s0 =	stileid.u32;
	[bflag:$0x2] =	sbarrier.arrive $0xFFFF  }
0xfa: {  	p0 =	sne.s32 s0, $0x0;
	s0 =	rddreg [dreg:$0x3]  }
0xfb: {  	s0 =	sadd.s32 @!p0 $0x100000, s0  }
0xfc: {  	[sflag:s0] =	ssyncadd.tile.s32 @!p0 $0x1;
	_ =	shalt  }
.Lfunc_end2:
_tile_overlayer_lowered:
.L_overlay_start_2:
0xfd: {  	(tag) =	ssettag $0x2  }
0xfe: {  	s0 =	rddreg [dreg:$0x0];
	s2 =	stileid.u32  }
0xff: {  	s1 =	rddreg [dreg:$0x1];
	p0 =	sne.s32 s2, $0x0  }
0x100: {  	s3 =	rddreg [dreg:$0x2];
	[bflag:$0x3] =	sbarrier.arrive $0xFFFF;
	s2 =	simm.s32 @!p0 $0x1C0D  }
0x101: {  	[timem:s3], [sflag:s2] =	dma.local @!p0 [hbm:s0], s1  }
0x102: {  	s0 =	simm.s32 @!p0 $0xD  }
0x103: {  	_ =	swait.ge @!p0 [sflag:s0], s1  }
0x104: {  	s1 =	ssub.s32 @!p0 $0x0, s1;
	[sflag:s0] =	ssyncset.done @!p0 $0x0  }
0x105: {  	[sflag:s0] =	ssyncadd.s32 @!p0 s1  }
0x106: {  	[bflag:$0x3] =	sbarrier.arrive $0xFFFF  }
0x107: {  	_ =	shalt  }

// kernel: kernel.9.cloned.1.call-start
scs
__scs_entry_jumppad:
0x0: {  	(pc) =	sbr.rel $0x88, $3  }
0x1: {  	(tag) =	ssettag $0x0;
	lr =	simm.s32 $0x1  }
0x2: {  	[smem:$0x3F9A] =	sst lr;
	_ =	strace $0xD0000000  }
0x3: {  	_ = 	snop  }
0x4: {  	_ = 	snop  }
0x5: {  	_ = 	snop  }
0x6: {  	_ = 	snop  }
0x7: {  	_ = 	snop  }
__scs_overlays_trampoline_lowered:
0x8: {  	[smem:$0x3FA9] =	sst s0  }
0x9: {  	[smem:$0x3FAA] =	sst s1  }
0xa: {  	[smem:$0x3FAB] =	sst s2  }
0xb: {  	[smem:$0x3FAC] =	sst s3  }
0xc: {  	[smem:$0x3FAD] =	sst s4  }
0xd: {  	[smem:$0x3FAE] =	sst s5  }
0xe: {  	[smem:$0x3FAF] =	sst s6  }
0xf: {  	[smem:$0x3FB0] =	sst s7  }
0x10: {  	[smem:$0x3FB1] =	sst s8  }
0x11: {  	[smem:$0x3FB2] =	sst s9;
	s0 =	simm.s32 @!p0 $0x0  }
0x12: {  	s1 =	sld [smem:$0x3F98];
	s0 =	simm.s32 @p0 $0x1  }
0x13: {  	[smem:$0x3FB3] =	sst s0;
	s0 =	simm.s32 @!p1 $0x0  }
0x14: {  	s2 =	sld [smem:$0x3F97];
	s0 =	simm.s32 @p1 $0x1  }
0x15: {  	[smem:$0x3FB4] =	sst s0;
	s0 =	simm.s32 @!p2 $0x0  }
0x16: {  	s3 =	sld [smem:$0x3FDB];
	s0 =	simm.s32 @p2 $0x1  }
0x17: {  	s4 =	simm.s32 $0x1BF5;
	[smem:$0x3FB6] =	sst s0  }
0x18: {  	s0 =	sld [smem:$0x3F99];
	_ =	swait.ge [sflag:s4], $0x0  }
0x19: {  	s7 =	sld [smem:$0x3F9A]  }
0x1a: {  	s8 =	sadd.s32 $0xFFFFE003, lr  }
0x1b: {  	s9 =	sadd.s32 $0xFFFFFEF7, lr;
	s5 =	simm.s32 $0xFFFFFFFF;
	p2 =	slt.u32 s8, $0xFFFFF086  }
0x1c: {  	p1 =	slt.u32 s9, $0xF7A;
	s5 =	simm.s32 @!p2 $0x0  }
0x1d: {  	s5 =	simm.s32 @p1 $0x1;
	p0 =	seq.s32 s7, s2  }
0x1e: {  	s7 =	smul.u32 @!p0 $0xF7A, s2;
	p2 =	seq.s32 @!p0 s5, $0x0  }
0x1f: {  	s9 =	smul.u32 $0xF7A, s1;
	s8 =	simm.s32 @!p0 $0x1BF5;
	p2 =	por !p2, p0  }
0x20: {  	[sflag:s8] =	ssyncset.s32 @!p0 $0xFFFFF086;
	s6 =	sadd.s32 @!p0 s3, s7;
	s7 =	simm.s32 @!p0 $0x108  }
0x21: {  	s3 =	sadd.s32 s3, s9;
	s6 =	sadd.s32 @!p0 $0x88, s6;
	s7 =	simm.s32 @p2 $0x1082  }
0x22: {  	[simem:s7], [sflag:s8] =	dma.local @!p0 [hbm:s6], $0xF7A  }
0x23: {  	s9 =	sor.u32 $0xD0000000, s2;
	s6 =	simm.s32 $0x108;
	_ =	swait.ge @!p0 [sflag:s8], $0x0  }
0x24: {  	s3 =	sadd.s32 $0x88, s3;
	s6 =	simm.s32 @!p1 $0x1082;
	[sflag:s4] =	ssyncset.s32 $0xFFFFF086  }
0x25: {  	[simem:s6], [sflag:s4] =	dma.local [hbm:s3], $0xF7A  }
0x26: {  	[smem:$0x3F9A] =	sst s1;
	(tag) =	ssettag s2;
	_ =	strace s9  }
0x27: {  	s1 =	sld [smem:$0x3FAA]  }
0x28: {  	s2 =	sld [smem:$0x3FAB]  }
0x29: {  	s4 =	sld [smem:$0x3FAD]  }
0x2a: {  	p0 =	seq.s32 s5, $0x0;
	s5 =	sld [smem:$0x3FAE]  }
0x2b: {  	s6 =	sld [smem:$0x3FAF]  }
0x2c: {  	s7 =	sld [smem:$0x3FB0]  }
0x2d: {  	s3 =	simm.s32 $0x108;
	s8 =	sld [smem:$0x3FB1]  }
0x2e: {  	s3 =	simm.s32 @!p0 $0x1082;
	s9 =	sld [smem:$0x3FB2]  }
0x2f: {  	lr =	sadd.s32 s0, s3;
	s0 =	sld [smem:$0x3FA9]  }
0x30: {  	s3 =	sld [smem:$0x3FAC]  }
0x31: {  	[smem:$0x3FB5] =	sst s10  }
0x32: {  	s10 =	sld [smem:$0x3FB3];
	_ =	sdelay $0x3  }
0x33: {  	p0 =	seq.s32 s10, $0x1;
	s10 =	sld [smem:$0x3FB5];
	_ =	sdelay $0x3  }
0x34: {  	[smem:$0x3FB5] =	sst s10  }
0x35: {  	s10 =	sld [smem:$0x3FB4];
	_ =	sdelay $0x3  }
0x36: {  	p1 =	seq.s32 s10, $0x1;
	s10 =	sld [smem:$0x3FB5];
	_ =	sdelay $0x3  }
0x37: {  	[smem:$0x3FB5] =	sst s10  }
0x38: {  	s10 =	sld [smem:$0x3FB6]  }
0x39: {  	_ = 	snop;
	(pc) =	sbr.ind lr, $3  }
0x3a: {  	_ = 	snop  }
0x3b: {  	_ = 	snop  }
0x3c: {  	p2 =	seq.s32 s10, $0x1;
	s10 =	sld [smem:$0x3FB5]  }
0x3d: {  	_ =	shalt  }
0x3e: {  	_ =	shalt  }
0x3f: {  	_ =	shalt  }
0x40: {  	_ =	shalt  }
0x41: {  	_ =	shalt  }
0x42: {  	_ =	shalt  }
0x43: {  	_ =	shalt  }
0x44: {  	_ =	shalt  }
0x45: {  	_ =	shalt  }
0x46: {  	_ =	shalt  }
0x47: {  	_ =	shalt  }
0x48: {  	_ =	shalt  }
0x49: {  	_ =	shalt  }
0x4a: {  	_ =	shalt  }
0x4b: {  	_ =	shalt  }
0x4c: {  	_ =	shalt  }
0x4d: {  	_ =	shalt  }
0x4e: {  	_ =	shalt  }
0x4f: {  	_ =	shalt  }
0x50: {  	_ =	shalt  }
0x51: {  	_ =	shalt  }
0x52: {  	_ =	shalt  }
0x53: {  	_ =	shalt  }
0x54: {  	_ =	shalt  }
0x55: {  	_ =	shalt  }
0x56: {  	_ =	shalt  }
0x57: {  	_ =	shalt  }
0x58: {  	_ =	shalt  }
0x59: {  	_ =	shalt  }
0x5a: {  	_ =	shalt  }
0x5b: {  	_ =	shalt  }
0x5c: {  	_ =	shalt  }
0x5d: {  	_ =	shalt  }
0x5e: {  	_ =	shalt  }
0x5f: {  	_ =	shalt  }
0x60: {  	_ =	shalt  }
0x61: {  	_ =	shalt  }
0x62: {  	_ =	shalt  }
0x63: {  	_ =	shalt  }
0x64: {  	_ =	shalt  }
0x65: {  	_ =	shalt  }
0x66: {  	_ =	shalt  }
0x67: {  	_ =	shalt  }
0x68: {  	_ =	shalt  }
0x69: {  	_ =	shalt  }
0x6a: {  	_ =	shalt  }
0x6b: {  	_ =	shalt  }
0x6c: {  	_ =	shalt  }
0x6d: {  	_ =	shalt  }
0x6e: {  	_ =	shalt  }
0x6f: {  	_ =	shalt  }
0x70: {  	_ =	shalt  }
0x71: {  	_ =	shalt  }
0x72: {  	_ =	shalt  }
0x73: {  	_ =	shalt  }
0x74: {  	_ =	shalt  }
0x75: {  	_ =	shalt  }
0x76: {  	_ =	shalt  }
0x77: {  	_ =	shalt  }
0x78: {  	_ =	shalt  }
0x79: {  	_ =	shalt  }
0x7a: {  	_ =	shalt  }
0x7b: {  	_ =	shalt  }
0x7c: {  	_ =	shalt  }
0x7d: {  	_ =	shalt  }
0x7e: {  	_ =	shalt  }
0x7f: {  	_ =	shalt  }
0x80: {  	_ =	shalt  }
0x81: {  	_ =	shalt  }
0x82: {  	_ =	shalt  }
0x83: {  	_ =	shalt  }
0x84: {  	_ =	shalt  }
0x85: {  	_ =	shalt  }
0x86: {  	_ =	shalt  }
0x87: {  	_ =	shalt  }
.Lfunc_end0:
.L_simem_size_0:
called_computation.1_lowered:
.L_overlay_start_0:
0x88: {  	s2 =	sld [smem:$0x3FD9]  }
0x89: {  	s3 =	sld [smem:$0x3FFE];
	_ =	sdelay $0x1  }
0x8a: {  	s1 =	srdreg.scid  }
0x8b: {  	s0 =	sand.u32 $0x1, s1  }
0x8c: {  	s17 =	sshll.u32 s0, $0xA;
	s2 =	sadd.s32 s3, s2  }
0x8d: {  	s2 =	sadd.s32 s2, s17  }
0x8e: {  	[smem:$0x3FC1] =	sst s2  }
0x8f: {  	_ = 	snop  }
0x90: {  	s2 =	sld [smem:$0x3FD0];
	(tm) =	ssettm $0x1  }
0x91: {  	s18 =	sld [smem:$0x3FFB];
	_ =	sdelay $0x3  }
0x92: {  	_ =	strace s18  }
0x93: {  	s3 =	sld [smem:$0x3FFC];
	_ =	sdelay $0x3  }
0x94: {  	_ =	strace s3  }
0x95: {  	s3 =	sld [smem:$0x3FFD];
	_ =	sdelay $0x3  }
0x96: {  	_ =	strace s3  }
0x97: {  	_ =	strace $0x8FFFFFFF  }
0x98: {  	s19 =	sld [smem:$0x3FDB];
	_ =	sdelay $0x1  }
0x99: {  	s4 =	simm.s32 $_scs_section_size  }
0x9a: {  	s5 =	simm.s32 $_size__tile_overlayer_lowered;
	s6 =	simm.s32 $_tile_overlayer_lowered  }
0x9b: {  	s22 =	simm.s32 $0x1BFF;
	s21 =	sshll.u32 s6, $0x1;
	s3 =	sadd.s32 s4, s19  }
0x9c: {  	s7 =	simm.s32 $0x0;
	s20 =	sshll.u32 s5, $0x1;
	s5 =	sadd.s32 s21, s3  }
0x9d: {  	[timem:s7], [sflag:s22] =	dma.local [hbm:s5], s20  }
0x9e: {  	_ =	swait.ge [sflag:s22], s20  }
0x9f: {  	s4 =	ssub.s32 $0x0, s20;
	[sflag:s22] =	ssyncset.done $0x0  }
0xa0: {  	[sflag:s22] =	ssyncadd.s32 s4;
	_ =	sdelay $0x1  }
0xa1: {  	s23 =	simm.s32 $0x1B8B  }
0xa2: {  	_ =	swait.ge [sflag:s23], $0x1  }
0xa3: {  	[sflag:s23] =	ssyncset.done $0x0  }
0xa4: {  	s25 =	simm.s32 $0x1B8E;
	s24 =	sld [smem:$0x3FFE];
	[sflag:s23] =	ssyncadd.s32 $0xFFFFFFFF  }
0xa5: {  	s26 =	simm.s32 $execute0_lowered;
	[smem:$0x3FD2] =	sst s25  }
0xa6: {  	s5 =	sshll.u32 s26, $0x1;
	_ =	strace $0x80000049;
	[dreg:$0x1] =	wrdreg $0xFFFFFFFF  }
0xa7: {  	s28 =	simm.s32 $_size_execute0_lowered;
	s3 =	sadd.s32 s3, s5;
	[dreg:$0x0] =	wrdreg $0x0  }
0xa8: {  	s5 =	sshll.u32 s28, $0x1;
	[dreg:$0x2] =	wrdreg s3  }
0xa9: {  	[dreg:$0x3] =	wrdreg s5  }
0xaa: {  	[dreg:$0x4] =	wrdreg $0xC0  }
0xab: {  	_ =	task [dreg:s7], $0x5FFFF  }
0xac: {  	[dreg:$0x1] =	wrdreg $0xFFFFFFFF  }
0xad: {  	[dreg:$0x0] =	wrdreg $0x60  }
0xae: {  	[dreg:$0x2] =	wrdreg s24  }
0xaf: {  	[dreg:$0x3] =	wrdreg s2  }
0xb0: {  	[dreg:$0x4] =	wrdreg $0x48000  }
0xb1: {  	[dreg:$0x5] =	wrdreg $0x9  }
0xb2: {  	_ =	task.clear_ibuf [dreg:s7], $0x6FFFF;
	_ =	strace $0x90000049  }
0xb3: {  	s29 =	simm.s32 $0x9;
	_ =	strace $0x8000004B  }
0xb4: {  	_ =	swait.ge [sflag:s29], $0x1  }
0xb5: {  	[sflag:s29] =	ssyncadd.s32 $0xFFFFFFFF  }
0xb6: {  	_ =	strace $0x9000004B  }
0xb7: {  	_ =	sfence  }
0xb8: {  	s30 =	sld [smem:$0x0];
	_ =	sdelay $0x2  }
0xb9: {  	s31 =	sshll.u32 s1, $0xD;
	s1 =	sshrl.u32 s1, $0x2  }
0xba: {  	s3 =	sand.u32 $0x4000, s31;
	s1 =	sadd.s32 s1, s30  }
0xbb: {  	s0 =	sor.u32 s3, s0;
	s1 =	sshll.u32 s1, $0x11  }
0xbc: {  	s0 =	sor.u32 s1, s0  }
0xbd: {  	s0 =	sadd.s32 $0x8F2B, s0  }
0xbe: {  	[sflag:s0] =	ssyncadd.remote.s32 $0x1  }
0xbf: {  	_ =	sfence.sel $0xFFFF  }
0xc0: {  	[dreg:$0x0] =	wrdreg $0xFFFFFFFF;
	(pc) =	sbr.abs _section_cstart, $3  }
0xc1: {  	[dreg:$0x1] =	wrdreg $0xFFFFFFFF  }
0xc2: {  	_ =	task.clear_ibuf [dreg:s7], $0x2FFFF;
	_ =	strace $0x9FFFFFFF  }
0xc3: {  	(tm) =	ssettm $0x7FFFFFFF  }
tec
execute0_lowered:
.L_overlay_start_1:
0x0: {  	(tag) =	ssettag $0x1  }
0x1: {  	s5 =	rddreg [dreg:$0x0]  }
0x2: {  	s0 =	srdreg.scid;
	s8 =	rddreg [dreg:$0x1]  }
0x3: {  	s2 =	rddreg [dreg:$0x2];
	s1 =	stileid.u32  }
0x4: {  	s3 =	simm.s32 $0x0;
	s6 =	sand.u32 $0x1, s0;
	s0 =	rddreg [dreg:$0x3]  }
0x5: {  	[smem:$0x7FF] =	sst s3;
	s7 =	smul.u32 $0x50000, s1;
	s11 =	sadd.s32 $0xD200, s5  }
0x6: {  	s31 =	sshll.u32 s1, $0x6;
	s13 =	smul.u32 $0x2800, s1;
	s4 =	sshll.u32 s6, $0x4  }
0x7: {  	_ =	strace $0x8000004A;
	s10 =	ssub.s32 $0x2, s6;
	p0 =	seq.s32 s6, $0x1  }
0x8: {  	s4 =	sor.u32 s1, s4;
	s30 =	sshrl.u32 s10, $0x1;
	s7 =	sshrl.u32 s7, $0x2  }
0x9: {  	s8 =	smov.u32 @p0 s11;
	s11 =	simm.s32 $0x40;
	s4 =	smul.u32 $0x500, s4  }
0xa: {  	s10 =	ssub.s32 s10, s30;
	s12 =	sadd.s32 s7, s2;
	s8 =	sadd.s32 s8, s13  }
0xb: {  	s13 =	simm.s32 $0x1;
	s7 =	smax.u32 s10, $0x1;
	s10 =	simm.s32 $0x2  }
0xc: {  	vm0 =	vcmask $0x300;
	v0 =	vimm.f32 $0.0e+00;
	s9 =	sadd.s32 s4, s5;
	s4 =	sadd.s32 $0x39200, s5;
	s5 =	sor.u32 $0x1C02, s31  }
0xd: {  	v1 =	vsel vm0, $0x3F800000, v0;
	s6 =	sadd.s32 $0x3000, s9;
	s9 =	sshrl.u32 s12, $0x3;
	s12 =	simm.s32 $0x2800  }
.LBB2_1:
0xe: {  	s14 =	simm.s32 $0x0;
	s15 =	simm.s32 $0x200  }
.LBB2_2:
0xf: {  	p0 =	sne.s32 s15, $0x7E00;
	[tilespmem:s14+$0x2870] =	vst v0  }
0x10: {  	[tilespmem:s14+$0x2800] =	vst v1  }
0x11: {  	[tilespmem:s14+$0x2810] =	vst v0  }
.Ltmp0:
0x12: {  	[tilespmem:s14+$0x2820] =	vst v0;
	(pc) =	sbr.rel @p0 .LBB2_2-.Ltmp0, $4  }
0x13: {  	[tilespmem:s14+$0x2830] =	vst v0  }
0x14: {  	[tilespmem:s14+$0x2840] =	vst v0  }
0x15: {  	[tilespmem:s14+$0x2850] =	vst v0  }
0x16: {  	[tilespmem:s14+$0x2860] =	vst v0;
	s14 =	sshra.s32 s15, $0x2;
	s15 =	sadd.s32 $0x200, s15  }
0x17: {  	[tilespmem:s14+$0x2870] =	vst v0  }
0x18: {  	[tilespmem:s14+$0x2800] =	vst v1  }
0x19: {  	[tilespmem:s14+$0x2810] =	vst v0  }
0x1a: {  	[tilespmem:s14+$0x2820] =	vst v0  }
0x1b: {  	[tilespmem:s14+$0x2830] =	vst v0  }
0x1c: {  	[tilespmem:s14+$0x2840] =	vst v0  }
0x1d: {  	[tilespmem:s14+$0x2850] =	vst v0  }
0x1e: {  	[tilespmem:s14+$0x2860] =	vst v0  }
0x1f: {  	[spmem:s9], [sflag:s5] =	dma.local [hbm:s4], $0x2800  }
0x20: {  	_ =	swait.ge [sflag:s10], $0x2800  }
0x21: {  	[sflag:s10] =	ssyncset.done $0x0  }
0x22: {  	s14 =	simm.s32 $0x0;
	[sflag:s10] =	ssyncadd.s32 $0xFFFFD800  }
0x23: {  	[tilespmem:s14], [sflag:$0x2] =	stream.linear.gather [hbm4b:s6+s14], $0x2800, $0x38;
	[tilespmem:$0x18800] =	vst v63  }
0x24: {  	_ =	swait.ge [sflag:s10], $0x2800  }
0x25: {  	[sflag:s10] =	ssyncset.done $0x0  }
0x26: {  	[sflag:s10] =	ssyncadd.s32 $0xFFFFD800  }
0x27: {  	[bflag:$0x0] =	sbarrier.arrive $0xFFFF  }
.LBB2_4:
0x28: {  	p0 =	sne.s32 s14, $0x9E00  }
.Ltmp1:
0x29: {  	_ = 	snop;
	(pc) =	sbr.rel @p0 .LBB2_4-.Ltmp1, $3  }
0x2a: {  	_ =	sdelay $0x1  }
0x2b: {  	s15 =	sshra.s32 s14, $0x2;
	s14 =	sadd.s32 $0x200, s14  }
0x2c: {  	[spmem:s2] =	stream.indirect.scatter.add.f32 [tilespmem:s12], [sflag:$0x1], $0x80, s15, s11, $0xb8;
	[tilespmem:$0x18800] =	vst v63  }
0x2d: {  	_ =	swait.ge [sflag:s13], $0x2000  }
0x2e: {  	s14 =	simm.s32 $0x4F;
	[sflag:s13] =	ssyncset.done $0x0  }
.LBB2_6:
0x2f: {  	p0 =	sne.s32 s14, $0x1;
	s14 =	sadd.s32 $0xFFFFFFFF, s14;
	[sflag:s13] =	ssyncadd.s32 $0xFFFFE000  }
.Ltmp2:
0x30: {  	(pc) =	sbr.rel @p0 .LBB2_6-.Ltmp2, $3  }
0x31: {  	_ =	sdelay $0x1  }
0x32: {  	_ =	swait.ge [sflag:s13], $0x2000  }
0x33: {  	[sflag:s13] =	ssyncset.done $0x0  }
0x34: {  	s3 =	sadd.s32 $0x1, s3  }
0x35: {  	[sflag:s13] =	ssyncadd.s32 $0xFFFFE000;
	p0 =	sne.s32 s3, s7  }
.Ltmp3:
0x36: {  	[bflag:$0x0] =	sbarrier.arrive $0xFFFF;
	(pc) =	sbr.rel @p0 .LBB2_1-.Ltmp3, $4  }
0x37: {  	[hbm:s8], [sflag:s5] =	dma.local [spmem:s9], $0x2800  }
0x38: {  	_ =	swait.ge [sflag:s10], $0x2800  }
0x39: {  	[sflag:s10] =	ssyncset.done $0x0  }
0x3a: {  	[sflag:s10] =	ssyncadd.s32 $0xFFFFD800  }
0x3b: {  	_ =	sfence.sel $0x180000  }
0x3c: {  	[bflag:$0x0] =	sbarrier.arrive $0xFFFF  }
0x3d: {  	p0 =	sne.s32 s1, $0x0;
	_ =	strace $0x9000004A  }
0x3e: {  	s0 =	sadd.s32 @!p0 $0x100000, s0;
	[bflag:$0x2] =	sbarrier.arrive $0xFFFF  }
0x3f: {  	[sflag:s0] =	ssyncadd.tile.s32 @!p0 $0x1;
	_ =	shalt  }
.Lfunc_end2:
_tile_overlayer_lowered:
.L_overlay_start_2:
0x40: {  	(tag) =	ssettag $0x2  }
0x41: {  	s0 =	rddreg [dreg:$0x0];
	s2 =	stileid.u32  }
0x42: {  	s1 =	rddreg [dreg:$0x1];
	p0 =	sne.s32 s2, $0x0  }
0x43: {  	s3 =	rddreg [dreg:$0x2];
	[bflag:$0x3] =	sbarrier.arrive $0xFFFF;
	s2 =	simm.s32 @!p0 $0x1C02  }
0x44: {  	[timem:s3], [sflag:s2] =	dma.local @!p0 [hbm:s0], s1  }
0x45: {  	s0 =	simm.s32 @!p0 $0x2  }
0x46: {  	_ =	swait.ge @!p0 [sflag:s0], s1  }
0x47: {  	s1 =	ssub.s32 @!p0 $0x0, s1;
	[sflag:s0] =	ssyncset.done @!p0 $0x0  }
0x48: {  	[sflag:s0] =	ssyncadd.s32 @!p0 s1  }
0x49: {  	[bflag:$0x3] =	sbarrier.arrive $0xFFFF  }
0x4a: {  	_ =	shalt  }

</sc_bundles>
